<compile_context>
chip_gen: v7x
topology: tpu7x:2x2x1
jax: 0.10.2.dev20260603
libtpu: 0.0.44.dev20260713+nightly
codegen_flags: <defaults>
</compile_context>

<pallas_src>
import jax
import jax.numpy as jnp
from jax import lax
from jax.experimental import pallas as pl
from jax.experimental.pallas import tpu as pltpu
from jax.experimental.pallas import tpu_sc as plsc

BATCH = 16384
D = 128
L = 16
NC = 2
NS = 16
NW = NC * NS
ROWS_PER_W = BATCH // NW
CHUNK = 128
NCHUNKS = ROWS_PER_W // CHUNK


def _permute_body(tgt_hbm, perm_hbm, out_hbm, perm_v,
                  in0, in1, out0, out1,
                  sem_in0, sem_in1, sem_out0, sem_out1):
    wid = lax.axis_index("s") * NC + lax.axis_index("c")
    row0 = wid * ROWS_PER_W

    in_bufs = (in0, in1)
    out_bufs = (out0, out1)
    sem_in = (sem_in0, sem_in1)
    sem_out = (sem_out0, sem_out1)

    def rows(c):
        return pl.ds(row0 + c * CHUNK, CHUNK)

    in_dma = [None] * NCHUNKS
    out_dma = [None] * NCHUNKS
    in_dma[0] = pltpu.async_copy(tgt_hbm.at[rows(0)], in_bufs[0], sem_in[0])
    if NCHUNKS > 1:
        in_dma[1] = pltpu.async_copy(tgt_hbm.at[rows(1)], in_bufs[1], sem_in[1])

    pltpu.sync_copy(perm_hbm, perm_v)
    pslices = [perm_v[pl.ds(j * L, L)] for j in range(D // L)]

    def compute(in_ref, out_ref):
        @plsc.parallel_loop(0, CHUNK, unroll=4)
        def _(r):
            rvec = jnp.full((L,), 0, jnp.int32) + r
            for j in range(D // L):
                out_ref[r, pl.ds(j * L, L)] = plsc.load_gather(
                    in_ref, [rvec, pslices[j]])

    for c in range(NCHUNKS):
        b = c % 2
        in_dma[c].wait()
        if c >= 2:
            out_dma[c - 2].wait()
        compute(in_bufs[b], out_bufs[b])
        if c + 2 < NCHUNKS:
            in_dma[c + 2] = pltpu.async_copy(
                tgt_hbm.at[rows(c + 2)], in_bufs[b], sem_in[b])
        out_dma[c] = pltpu.async_copy(out_bufs[b], out_hbm.at[rows(c)],
                                      sem_out[b])
    for c in range(max(0, NCHUNKS - 2), NCHUNKS):
        out_dma[c].wait()


def kernel(target, permutation):
    mesh = plsc.VectorSubcoreMesh(core_axis_name="c", subcore_axis_name="s")
    k = pl.kernel(
        _permute_body,
        out_type=jax.ShapeDtypeStruct((BATCH, D), jnp.float32),
        mesh=mesh,
        compiler_params=pltpu.CompilerParams(needs_layout_passes=False),
        scratch_types=[
            pltpu.VMEM((D,), jnp.int32),
            pltpu.VMEM((CHUNK, D), jnp.float32),
            pltpu.VMEM((CHUNK, D), jnp.float32),
            pltpu.VMEM((CHUNK, D), jnp.float32),
            pltpu.VMEM((CHUNK, D), jnp.float32),
            pltpu.SemaphoreType.DMA,
            pltpu.SemaphoreType.DMA,
            pltpu.SemaphoreType.DMA,
            pltpu.SemaphoreType.DMA,
        ],
    )
    return k(target, permutation)

# --- scband reference (transcript-rebuilt; emitter-appended) ---
"""Pipeline reference for scband-permutation-29953101922983 (READ-ONLY COPY).

The authoritative reference and input builder live on the scoring server;
editing this copy changes nothing except your own understanding.
"""

import jax, jax.numpy as jnp
import numpy as np

INPUT_DIM = 128
BATCH = 16384

def setup_inputs(seed: int = 0) -> dict:
    key = jax.random.key(seed)
    target = jax.random.normal(key, (BATCH, INPUT_DIM), dtype=jnp.float32)
    # fixed (non-trainable) permutation created at module init
    perm_np = np.random.default_rng(0).permutation(INPUT_DIM)
    permutation = jnp.asarray(perm_np, dtype=jnp.int32)
    return {"target": target, "permutation": permutation}

def reference(target, permutation):
    # Permutation._forward: tf.gather(target, self.permutation, axis=-1)
    return jnp.take(target, permutation, axis=-1)

if __name__ == "__main__":
    import jax
    _d = setup_inputs()
    print(jax.jit(kernel)(*tuple(_d.values())))

</pallas_src>

<mosaic_0001>
#map = affine_map<(d0, d1) -> (0, 0)>
#map1 = affine_map<(d0, d1) -> (0)>
module attributes {stable_mosaic.version = 14 : i64} {
  func.func @_permute_body(%arg0: i32, %arg1: i32, %arg2: memref<16384x128xf32, #tpu.memory_space<hbm>>, %arg3: memref<128xi32, #tpu.memory_space<hbm>>, %arg4: memref<16384x128xf32, #tpu.memory_space<hbm>>, %arg5: memref<128xi32, #tpu.memory_space<vmem>>, %arg6: memref<128x128xf32, #tpu.memory_space<vmem>>, %arg7: memref<128x128xf32, #tpu.memory_space<vmem>>, %arg8: memref<128x128xf32, #tpu.memory_space<vmem>>, %arg9: memref<128x128xf32, #tpu.memory_space<vmem>>, %arg10: memref<!tpu.dma_semaphore, #tpu.memory_space<semaphore_mem>>, %arg11: memref<!tpu.dma_semaphore, #tpu.memory_space<semaphore_mem>>, %arg12: memref<!tpu.dma_semaphore, #tpu.memory_space<semaphore_mem>>, %arg13: memref<!tpu.dma_semaphore, #tpu.memory_space<semaphore_mem>>) attributes {dimension_semantics = [#tpu.dimension_semantics<core_parallel>, #tpu.dimension_semantics<subcore_parallel>], iteration_bounds = array<i64: 2, 16>, scalar_prefetch = 0 : i64, scratch_operands = 9 : i64, tpu.core_type = #tpu.core_type<sc_vector_subcore>, window_params = [{transform_indices = #map}, {transform_indices = #map1}, {transform_indices = #map}]} {
    %mul3A = arith.constant 2 : i32
    %mul3A_0 = arith.muli %arg1, %mul3A : i32
    %add3A = arith.addi %mul3A_0, %arg0 : i32
    %mul3A_1 = arith.constant 512 : i32
    %mul3A_2 = arith.muli %add3A, %mul3A_1 : i32
    %add3A_3 = arith.constant 0 : i32
    %add3A_4 = arith.addi %mul3A_2, %add3A_3 : i32
    %dma_start3A = arith.constant 0 : i32
    %dma_start3A_5 = tpu.memref_slice %arg2[%add3A_4, %dma_start3A] : memref<16384x128xf32, #tpu.memory_space<hbm>> -> memref<128x128xf32, #tpu.memory_space<hbm>>
    %dma_start3A_6 = arith.constant 0 : i32
    %dma_start3A_7 = tpu.memref_slice %arg2[%add3A_4, %dma_start3A_6] : memref<16384x128xf32, #tpu.memory_space<hbm>> -> memref<128x128xf32, #tpu.memory_space<hbm>>
    tpu.enqueue_dma source(%dma_start3A_7 : memref<128x128xf32, #tpu.memory_space<hbm>>) target(%arg6 : memref<128x128xf32, #tpu.memory_space<vmem>>) target_semaphore(%arg10 : memref<!tpu.dma_semaphore, #tpu.memory_space<semaphore_mem>>)
    %add3A_8 = arith.constant 128 : i32
    %add3A_9 = arith.addi %mul3A_2, %add3A_8 : i32
    %dma_start3A_10 = arith.constant 0 : i32
    %dma_start3A_11 = tpu.memref_slice %arg2[%add3A_9, %dma_start3A_10] : memref<16384x128xf32, #tpu.memory_space<hbm>> -> memref<128x128xf32, #tpu.memory_space<hbm>>
    %dma_start3A_12 = arith.constant 0 : i32
    %dma_start3A_13 = tpu.memref_slice %arg2[%add3A_9, %dma_start3A_12] : memref<16384x128xf32, #tpu.memory_space<hbm>> -> memref<128x128xf32, #tpu.memory_space<hbm>>
    tpu.enqueue_dma source(%dma_start3A_13 : memref<128x128xf32, #tpu.memory_space<hbm>>) target(%arg7 : memref<128x128xf32, #tpu.memory_space<vmem>>) target_semaphore(%arg11 : memref<!tpu.dma_semaphore, #tpu.memory_space<semaphore_mem>>)
    "tpu.region"() ({
      %run_scoped3A = tpu.sem_alloc : memref<!tpu.dma_semaphore, #tpu.memory_space<semaphore_mem>>
      tpu.enqueue_dma source(%arg3 : memref<128xi32, #tpu.memory_space<hbm>>) target(%arg5 : memref<128xi32, #tpu.memory_space<vmem>>) target_semaphore(%run_scoped3A : memref<!tpu.dma_semaphore, #tpu.memory_space<semaphore_mem>>)
      tpu.wait_dma2 semaphore(%run_scoped3A : memref<!tpu.dma_semaphore, #tpu.memory_space<semaphore_mem>>) src(%arg3 : memref<128xi32, #tpu.memory_space<hbm>>) dst(%arg5 : memref<128xi32, #tpu.memory_space<vmem>>)
      tpu.yield
    }) : () -> ()
    %get3A = arith.constant 0 : index
    %get3A_14 = tpu.vector_load %arg5[%get3A] {strides = array<i32>} : memref<128xi32, #tpu.memory_space<vmem>>, vector<16xi32>,
    %get3A_15 = arith.constant 16 : index
    %get3A_16 = tpu.vector_load %arg5[%get3A_15] {strides = array<i32>} : memref<128xi32, #tpu.memory_space<vmem>>, vector<16xi32>,
    %get3A_17 = arith.constant 32 : index
    %get3A_18 = tpu.vector_load %arg5[%get3A_17] {strides = array<i32>} : memref<128xi32, #tpu.memory_space<vmem>>, vector<16xi32>,
    %get3A_19 = arith.constant 48 : index
    %get3A_20 = tpu.vector_load %arg5[%get3A_19] {strides = array<i32>} : memref<128xi32, #tpu.memory_space<vmem>>, vector<16xi32>,
    %get3A_21 = arith.constant 64 : index
    %get3A_22 = tpu.vector_load %arg5[%get3A_21] {strides = array<i32>} : memref<128xi32, #tpu.memory_space<vmem>>, vector<16xi32>,
    %get3A_23 = arith.constant 80 : index
    %get3A_24 = tpu.vector_load %arg5[%get3A_23] {strides = array<i32>} : memref<128xi32, #tpu.memory_space<vmem>>, vector<16xi32>,
    %get3A_25 = arith.constant 96 : index
    %get3A_26 = tpu.vector_load %arg5[%get3A_25] {strides = array<i32>} : memref<128xi32, #tpu.memory_space<vmem>>, vector<16xi32>,
    %get3A_27 = arith.constant 112 : index
    %get3A_28 = tpu.vector_load %arg5[%get3A_27] {strides = array<i32>} : memref<128xi32, #tpu.memory_space<vmem>>, vector<16xi32>,
    %dma_wait3A = arith.constant 0 : i32
    %dma_wait3A_29 = tpu.memref_slice %arg2[%add3A_4, %dma_wait3A] : memref<16384x128xf32, #tpu.memory_space<hbm>> -> memref<128x128xf32, #tpu.memory_space<hbm>>
    %dma_wait3A_30 = arith.constant 0 : i32
    %dma_wait3A_31 = tpu.memref_slice %arg2[%add3A_4, %dma_wait3A_30] : memref<16384x128xf32, #tpu.memory_space<hbm>> -> memref<128x128xf32, #tpu.memory_space<hbm>>
    tpu.wait_dma2 semaphore(%arg10 : memref<!tpu.dma_semaphore, #tpu.memory_space<semaphore_mem>>) src(%dma_wait3A_31 : memref<128x128xf32, #tpu.memory_space<hbm>>) dst(%arg6 : memref<128x128xf32, #tpu.memory_space<vmem>>)
    %parallel_loop3A = arith.constant 0 : i32
    %parallel_loop3A_32 = arith.constant 128 : i32
    %parallel_loop3A_33 = arith.constant 1 : i32
    scf.for %parallel_loop3A_107 = %parallel_loop3A to %parallel_loop3A_32 step %parallel_loop3A_33  : i32 {
      %parallel_loop3A_108 = arith.constant 0 : i32
      %parallel_loop3A_109 = vector.broadcast %parallel_loop3A_108 : i32 to vector<16xi32>
      %parallel_loop3A_110 = vector.broadcast %parallel_loop3A_107 : i32 to vector<16xi32>
      %parallel_loop3A_111 = arith.addi %parallel_loop3A_109, %parallel_loop3A_110 : vector<16xi32>
      %parallel_loop3A_112 = tpu.vector_load_idx %arg6[%parallel_loop3A_111, %get3A_14] : memref<128x128xf32, #tpu.memory_space<vmem>>[vector<16xi32>, vector<16xi32>], vector<16xf32>,
      %parallel_loop3A_113 = arith.index_cast %parallel_loop3A_107 : i32 to index
      %parallel_loop3A_114 = arith.constant 0 : index
      %parallel_loop3A_115 = tpu.vector_load %arg8[%parallel_loop3A_113, %parallel_loop3A_114] {strides = array<i32>} : memref<128x128xf32, #tpu.memory_space<vmem>>, vector<16xf32>,
      tpu.vector_store %arg8[%parallel_loop3A_113, %parallel_loop3A_114], %parallel_loop3A_112 {strides = array<i32>} : memref<128x128xf32, #tpu.memory_space<vmem>>, vector<16xf32>,
      %parallel_loop3A_116 = tpu.vector_load_idx %arg6[%parallel_loop3A_111, %get3A_16] : memref<128x128xf32, #tpu.memory_space<vmem>>[vector<16xi32>, vector<16xi32>], vector<16xf32>,
      %parallel_loop3A_117 = arith.index_cast %parallel_loop3A_107 : i32 to index
      %parallel_loop3A_118 = arith.constant 16 : index
      %parallel_loop3A_119 = tpu.vector_load %arg8[%parallel_loop3A_117, %parallel_loop3A_118] {strides = array<i32>} : memref<128x128xf32, #tpu.memory_space<vmem>>, vector<16xf32>,
      tpu.vector_store %arg8[%parallel_loop3A_117, %parallel_loop3A_118], %parallel_loop3A_116 {strides = array<i32>} : memref<128x128xf32, #tpu.memory_space<vmem>>, vector<16xf32>,
      %parallel_loop3A_120 = tpu.vector_load_idx %arg6[%parallel_loop3A_111, %get3A_18] : memref<128x128xf32, #tpu.memory_space<vmem>>[vector<16xi32>, vector<16xi32>], vector<16xf32>,
      %parallel_loop3A_121 = arith.index_cast %parallel_loop3A_107 : i32 to index
      %parallel_loop3A_122 = arith.constant 32 : index
      %parallel_loop3A_123 = tpu.vector_load %arg8[%parallel_loop3A_121, %parallel_loop3A_122] {strides = array<i32>} : memref<128x128xf32, #tpu.memory_space<vmem>>, vector<16xf32>,
      tpu.vector_store %arg8[%parallel_loop3A_121, %parallel_loop3A_122], %parallel_loop3A_120 {strides = array<i32>} : memref<128x128xf32, #tpu.memory_space<vmem>>, vector<16xf32>,
      %parallel_loop3A_124 = tpu.vector_load_idx %arg6[%parallel_loop3A_111, %get3A_20] : memref<128x128xf32, #tpu.memory_space<vmem>>[vector<16xi32>, vector<16xi32>], vector<16xf32>,
      %parallel_loop3A_125 = arith.index_cast %parallel_loop3A_107 : i32 to index
      %parallel_loop3A_126 = arith.constant 48 : index
      %parallel_loop3A_127 = tpu.vector_load %arg8[%parallel_loop3A_125, %parallel_loop3A_126] {strides = array<i32>} : memref<128x128xf32, #tpu.memory_space<vmem>>, vector<16xf32>,
      tpu.vector_store %arg8[%parallel_loop3A_125, %parallel_loop3A_126], %parallel_loop3A_124 {strides = array<i32>} : memref<128x128xf32, #tpu.memory_space<vmem>>, vector<16xf32>,
      %parallel_loop3A_128 = tpu.vector_load_idx %arg6[%parallel_loop3A_111, %get3A_22] : memref<128x128xf32, #tpu.memory_space<vmem>>[vector<16xi32>, vector<16xi32>], vector<16xf32>,
      %parallel_loop3A_129 = arith.index_cast %parallel_loop3A_107 : i32 to index
      %parallel_loop3A_130 = arith.constant 64 : index
      %parallel_loop3A_131 = tpu.vector_load %arg8[%parallel_loop3A_129, %parallel_loop3A_130] {strides = array<i32>} : memref<128x128xf32, #tpu.memory_space<vmem>>, vector<16xf32>,
      tpu.vector_store %arg8[%parallel_loop3A_129, %parallel_loop3A_130], %parallel_loop3A_128 {strides = array<i32>} : memref<128x128xf32, #tpu.memory_space<vmem>>, vector<16xf32>,
      %parallel_loop3A_132 = tpu.vector_load_idx %arg6[%parallel_loop3A_111, %get3A_24] : memref<128x128xf32, #tpu.memory_space<vmem>>[vector<16xi32>, vector<16xi32>], vector<16xf32>,
      %parallel_loop3A_133 = arith.index_cast %parallel_loop3A_107 : i32 to index
      %parallel_loop3A_134 = arith.constant 80 : index
      %parallel_loop3A_135 = tpu.vector_load %arg8[%parallel_loop3A_133, %parallel_loop3A_134] {strides = array<i32>} : memref<128x128xf32, #tpu.memory_space<vmem>>, vector<16xf32>,
      tpu.vector_store %arg8[%parallel_loop3A_133, %parallel_loop3A_134], %parallel_loop3A_132 {strides = array<i32>} : memref<128x128xf32, #tpu.memory_space<vmem>>, vector<16xf32>,
      %parallel_loop3A_136 = tpu.vector_load_idx %arg6[%parallel_loop3A_111, %get3A_26] : memref<128x128xf32, #tpu.memory_space<vmem>>[vector<16xi32>, vector<16xi32>], vector<16xf32>,
      %parallel_loop3A_137 = arith.index_cast %parallel_loop3A_107 : i32 to index
      %parallel_loop3A_138 = arith.constant 96 : index
      %parallel_loop3A_139 = tpu.vector_load %arg8[%parallel_loop3A_137, %parallel_loop3A_138] {strides = array<i32>} : memref<128x128xf32, #tpu.memory_space<vmem>>, vector<16xf32>,
      tpu.vector_store %arg8[%parallel_loop3A_137, %parallel_loop3A_138], %parallel_loop3A_136 {strides = array<i32>} : memref<128x128xf32, #tpu.memory_space<vmem>>, vector<16xf32>,
      %parallel_loop3A_140 = tpu.vector_load_idx %arg6[%parallel_loop3A_111, %get3A_28] : memref<128x128xf32, #tpu.memory_space<vmem>>[vector<16xi32>, vector<16xi32>], vector<16xf32>,
      %parallel_loop3A_141 = arith.index_cast %parallel_loop3A_107 : i32 to index
      %parallel_loop3A_142 = arith.constant 112 : index
      %parallel_loop3A_143 = tpu.vector_load %arg8[%parallel_loop3A_141, %parallel_loop3A_142] {strides = array<i32>} : memref<128x128xf32, #tpu.memory_space<vmem>>, vector<16xf32>,
      tpu.vector_store %arg8[%parallel_loop3A_141, %parallel_loop3A_142], %parallel_loop3A_140 {strides = array<i32>} : memref<128x128xf32, #tpu.memory_space<vmem>>, vector<16xf32>,
    } {sc.loop_unroll_factor = 4 : i64, sc.parallel_access}
    %add3A_34 = arith.constant 256 : i32
    %add3A_35 = arith.addi %mul3A_2, %add3A_34 : i32
    %dma_start3A_36 = arith.constant 0 : i32
    %dma_start3A_37 = tpu.memref_slice %arg2[%add3A_35, %dma_start3A_36] : memref<16384x128xf32, #tpu.memory_space<hbm>> -> memref<128x128xf32, #tpu.memory_space<hbm>>
    %dma_start3A_38 = arith.constant 0 : i32
    %dma_start3A_39 = tpu.memref_slice %arg2[%add3A_35, %dma_start3A_38] : memref<16384x128xf32, #tpu.memory_space<hbm>> -> memref<128x128xf32, #tpu.memory_space<hbm>>
    tpu.enqueue_dma source(%dma_start3A_39 : memref<128x128xf32, #tpu.memory_space<hbm>>) target(%arg6 : memref<128x128xf32, #tpu.memory_space<vmem>>) target_semaphore(%arg10 : memref<!tpu.dma_semaphore, #tpu.memory_space<semaphore_mem>>)
    %add3A_40 = arith.constant 0 : i32
    %add3A_41 = arith.addi %mul3A_2, %add3A_40 : i32
    %dma_start3A_42 = arith.constant 0 : i32
    %dma_start3A_43 = tpu.memref_slice %arg4[%add3A_41, %dma_start3A_42] : memref<16384x128xf32, #tpu.memory_space<hbm>> -> memref<128x128xf32, #tpu.memory_space<hbm>>
    %dma_start3A_44 = arith.constant 0 : i32
    %dma_start3A_45 = tpu.memref_slice %arg4[%add3A_41, %dma_start3A_44] : memref<16384x128xf32, #tpu.memory_space<hbm>> -> memref<128x128xf32, #tpu.memory_space<hbm>>
    tpu.enqueue_dma source(%arg8 : memref<128x128xf32, #tpu.memory_space<vmem>>) target(%dma_start3A_45 : memref<128x128xf32, #tpu.memory_space<hbm>>) target_semaphore(%arg12 : memref<!tpu.dma_semaphore, #tpu.memory_space<semaphore_mem>>)
    %dma_wait3A_46 = arith.constant 0 : i32
    %dma_wait3A_47 = tpu.memref_slice %arg2[%add3A_9, %dma_wait3A_46] : memref<16384x128xf32, #tpu.memory_space<hbm>> -> memref<128x128xf32, #tpu.memory_space<hbm>>
    %dma_wait3A_48 = arith.constant 0 : i32
    %dma_wait3A_49 = tpu.memref_slice %arg2[%add3A_9, %dma_wait3A_48] : memref<16384x128xf32, #tpu.memory_space<hbm>> -> memref<128x128xf32, #tpu.memory_space<hbm>>
    tpu.wait_dma2 semaphore(%arg11 : memref<!tpu.dma_semaphore, #tpu.memory_space<semaphore_mem>>) src(%dma_wait3A_49 : memref<128x128xf32, #tpu.memory_space<hbm>>) dst(%arg7 : memref<128x128xf32, #tpu.memory_space<vmem>>)
    %parallel_loop3A_50 = arith.constant 0 : i32
    %parallel_loop3A_51 = arith.constant 128 : i32
    %parallel_loop3A_52 = arith.constant 1 : i32
    scf.for %parallel_loop3A_107 = %parallel_loop3A_50 to %parallel_loop3A_51 step %parallel_loop3A_52  : i32 {
      %parallel_loop3A_108 = arith.constant 0 : i32
      %parallel_loop3A_109 = vector.broadcast %parallel_loop3A_108 : i32 to vector<16xi32>
      %parallel_loop3A_110 = vector.broadcast %parallel_loop3A_107 : i32 to vector<16xi32>
      %parallel_loop3A_111 = arith.addi %parallel_loop3A_109, %parallel_loop3A_110 : vector<16xi32>
      %parallel_loop3A_112 = tpu.vector_load_idx %arg7[%parallel_loop3A_111, %get3A_14] : memref<128x128xf32, #tpu.memory_space<vmem>>[vector<16xi32>, vector<16xi32>], vector<16xf32>,
      %parallel_loop3A_113 = arith.index_cast %parallel_loop3A_107 : i32 to index
      %parallel_loop3A_114 = arith.constant 0 : index
      %parallel_loop3A_115 = tpu.vector_load %arg9[%parallel_loop3A_113, %parallel_loop3A_114] {strides = array<i32>} : memref<128x128xf32, #tpu.memory_space<vmem>>, vector<16xf32>,
      tpu.vector_store %arg9[%parallel_loop3A_113, %parallel_loop3A_114], %parallel_loop3A_112 {strides = array<i32>} : memref<128x128xf32, #tpu.memory_space<vmem>>, vector<16xf32>,
      %parallel_loop3A_116 = tpu.vector_load_idx %arg7[%parallel_loop3A_111, %get3A_16] : memref<128x128xf32, #tpu.memory_space<vmem>>[vector<16xi32>, vector<16xi32>], vector<16xf32>,
      %parallel_loop3A_117 = arith.index_cast %parallel_loop3A_107 : i32 to index
      %parallel_loop3A_118 = arith.constant 16 : index
      %parallel_loop3A_119 = tpu.vector_load %arg9[%parallel_loop3A_117, %parallel_loop3A_118] {strides = array<i32>} : memref<128x128xf32, #tpu.memory_space<vmem>>, vector<16xf32>,
      tpu.vector_store %arg9[%parallel_loop3A_117, %parallel_loop3A_118], %parallel_loop3A_116 {strides = array<i32>} : memref<128x128xf32, #tpu.memory_space<vmem>>, vector<16xf32>,
      %parallel_loop3A_120 = tpu.vector_load_idx %arg7[%parallel_loop3A_111, %get3A_18] : memref<128x128xf32, #tpu.memory_space<vmem>>[vector<16xi32>, vector<16xi32>], vector<16xf32>,
      %parallel_loop3A_121 = arith.index_cast %parallel_loop3A_107 : i32 to index
      %parallel_loop3A_122 = arith.constant 32 : index
      %parallel_loop3A_123 = tpu.vector_load %arg9[%parallel_loop3A_121, %parallel_loop3A_122] {strides = array<i32>} : memref<128x128xf32, #tpu.memory_space<vmem>>, vector<16xf32>,
      tpu.vector_store %arg9[%parallel_loop3A_121, %parallel_loop3A_122], %parallel_loop3A_120 {strides = array<i32>} : memref<128x128xf32, #tpu.memory_space<vmem>>, vector<16xf32>,
      %parallel_loop3A_124 = tpu.vector_load_idx %arg7[%parallel_loop3A_111, %get3A_20] : memref<128x128xf32, #tpu.memory_space<vmem>>[vector<16xi32>, vector<16xi32>], vector<16xf32>,
      %parallel_loop3A_125 = arith.index_cast %parallel_loop3A_107 : i32 to index
      %parallel_loop3A_126 = arith.constant 48 : index
      %parallel_loop3A_127 = tpu.vector_load %arg9[%parallel_loop3A_125, %parallel_loop3A_126] {strides = array<i32>} : memref<128x128xf32, #tpu.memory_space<vmem>>, vector<16xf32>,
      tpu.vector_store %arg9[%parallel_loop3A_125, %parallel_loop3A_126], %parallel_loop3A_124 {strides = array<i32>} : memref<128x128xf32, #tpu.memory_space<vmem>>, vector<16xf32>,
      %parallel_loop3A_128 = tpu.vector_load_idx %arg7[%parallel_loop3A_111, %get3A_22] : memref<128x128xf32, #tpu.memory_space<vmem>>[vector<16xi32>, vector<16xi32>], vector<16xf32>,
      %parallel_loop3A_129 = arith.index_cast %parallel_loop3A_107 : i32 to index
      %parallel_loop3A_130 = arith.constant 64 : index
      %parallel_loop3A_131 = tpu.vector_load %arg9[%parallel_loop3A_129, %parallel_loop3A_130] {strides = array<i32>} : memref<128x128xf32, #tpu.memory_space<vmem>>, vector<16xf32>,
      tpu.vector_store %arg9[%parallel_loop3A_129, %parallel_loop3A_130], %parallel_loop3A_128 {strides = array<i32>} : memref<128x128xf32, #tpu.memory_space<vmem>>, vector<16xf32>,
      %parallel_loop3A_132 = tpu.vector_load_idx %arg7[%parallel_loop3A_111, %get3A_24] : memref<128x128xf32, #tpu.memory_space<vmem>>[vector<16xi32>, vector<16xi32>], vector<16xf32>,
      %parallel_loop3A_133 = arith.index_cast %parallel_loop3A_107 : i32 to index
      %parallel_loop3A_134 = arith.constant 80 : index
      %parallel_loop3A_135 = tpu.vector_load %arg9[%parallel_loop3A_133, %parallel_loop3A_134] {strides = array<i32>} : memref<128x128xf32, #tpu.memory_space<vmem>>, vector<16xf32>,
      tpu.vector_store %arg9[%parallel_loop3A_133, %parallel_loop3A_134], %parallel_loop3A_132 {strides = array<i32>} : memref<128x128xf32, #tpu.memory_space<vmem>>, vector<16xf32>,
      %parallel_loop3A_136 = tpu.vector_load_idx %arg7[%parallel_loop3A_111, %get3A_26] : memref<128x128xf32, #tpu.memory_space<vmem>>[vector<16xi32>, vector<16xi32>], vector<16xf32>,
      %parallel_loop3A_137 = arith.index_cast %parallel_loop3A_107 : i32 to index
      %parallel_loop3A_138 = arith.constant 96 : index
      %parallel_loop3A_139 = tpu.vector_load %arg9[%parallel_loop3A_137, %parallel_loop3A_138] {strides = array<i32>} : memref<128x128xf32, #tpu.memory_space<vmem>>, vector<16xf32>,
      tpu.vector_store %arg9[%parallel_loop3A_137, %parallel_loop3A_138], %parallel_loop3A_136 {strides = array<i32>} : memref<128x128xf32, #tpu.memory_space<vmem>>, vector<16xf32>,
      %parallel_loop3A_140 = tpu.vector_load_idx %arg7[%parallel_loop3A_111, %get3A_28] : memref<128x128xf32, #tpu.memory_space<vmem>>[vector<16xi32>, vector<16xi32>], vector<16xf32>,
      %parallel_loop3A_141 = arith.index_cast %parallel_loop3A_107 : i32 to index
      %parallel_loop3A_142 = arith.constant 112 : index
      %parallel_loop3A_143 = tpu.vector_load %arg9[%parallel_loop3A_141, %parallel_loop3A_142] {strides = array<i32>} : memref<128x128xf32, #tpu.memory_space<vmem>>, vector<16xf32>,
      tpu.vector_store %arg9[%parallel_loop3A_141, %parallel_loop3A_142], %parallel_loop3A_140 {strides = array<i32>} : memref<128x128xf32, #tpu.memory_space<vmem>>, vector<16xf32>,
    } {sc.loop_unroll_factor = 4 : i64, sc.parallel_access}
    %add3A_53 = arith.constant 384 : i32
    %add3A_54 = arith.addi %mul3A_2, %add3A_53 : i32
    %dma_start3A_55 = arith.constant 0 : i32
    %dma_start3A_56 = tpu.memref_slice %arg2[%add3A_54, %dma_start3A_55] : memref<16384x128xf32, #tpu.memory_space<hbm>> -> memref<128x128xf32, #tpu.memory_space<hbm>>
    %dma_start3A_57 = arith.constant 0 : i32
    %dma_start3A_58 = tpu.memref_slice %arg2[%add3A_54, %dma_start3A_57] : memref<16384x128xf32, #tpu.memory_space<hbm>> -> memref<128x128xf32, #tpu.memory_space<hbm>>
    tpu.enqueue_dma source(%dma_start3A_58 : memref<128x128xf32, #tpu.memory_space<hbm>>) target(%arg7 : memref<128x128xf32, #tpu.memory_space<vmem>>) target_semaphore(%arg11 : memref<!tpu.dma_semaphore, #tpu.memory_space<semaphore_mem>>)
    %add3A_59 = arith.constant 128 : i32
    %add3A_60 = arith.addi %mul3A_2, %add3A_59 : i32
    %dma_start3A_61 = arith.constant 0 : i32
    %dma_start3A_62 = tpu.memref_slice %arg4[%add3A_60, %dma_start3A_61] : memref<16384x128xf32, #tpu.memory_space<hbm>> -> memref<128x128xf32, #tpu.memory_space<hbm>>
    %dma_start3A_63 = arith.constant 0 : i32
    %dma_start3A_64 = tpu.memref_slice %arg4[%add3A_60, %dma_start3A_63] : memref<16384x128xf32, #tpu.memory_space<hbm>> -> memref<128x128xf32, #tpu.memory_space<hbm>>
    tpu.enqueue_dma source(%arg9 : memref<128x128xf32, #tpu.memory_space<vmem>>) target(%dma_start3A_64 : memref<128x128xf32, #tpu.memory_space<hbm>>) target_semaphore(%arg13 : memref<!tpu.dma_semaphore, #tpu.memory_space<semaphore_mem>>)
    %dma_wait3A_65 = arith.constant 0 : i32
    %dma_wait3A_66 = tpu.memref_slice %arg2[%add3A_35, %dma_wait3A_65] : memref<16384x128xf32, #tpu.memory_space<hbm>> -> memref<128x128xf32, #tpu.memory_space<hbm>>
    %dma_wait3A_67 = arith.constant 0 : i32
    %dma_wait3A_68 = tpu.memref_slice %arg2[%add3A_35, %dma_wait3A_67] : memref<16384x128xf32, #tpu.memory_space<hbm>> -> memref<128x128xf32, #tpu.memory_space<hbm>>
    tpu.wait_dma2 semaphore(%arg10 : memref<!tpu.dma_semaphore, #tpu.memory_space<semaphore_mem>>) src(%dma_wait3A_68 : memref<128x128xf32, #tpu.memory_space<hbm>>) dst(%arg6 : memref<128x128xf32, #tpu.memory_space<vmem>>)
    %dma_wait3A_69 = arith.constant 0 : i32
    %dma_wait3A_70 = tpu.memref_slice %arg4[%add3A_41, %dma_wait3A_69] : memref<16384x128xf32, #tpu.memory_space<hbm>> -> memref<128x128xf32, #tpu.memory_space<hbm>>
    %dma_wait3A_71 = arith.constant 0 : i32
    %dma_wait3A_72 = tpu.memref_slice %arg4[%add3A_41, %dma_wait3A_71] : memref<16384x128xf32, #tpu.memory_space<hbm>> -> memref<128x128xf32, #tpu.memory_space<hbm>>
    tpu.wait_dma2 semaphore(%arg12 : memref<!tpu.dma_semaphore, #tpu.memory_space<semaphore_mem>>) src(%arg8 : memref<128x128xf32, #tpu.memory_space<vmem>>) dst(%dma_wait3A_72 : memref<128x128xf32, #tpu.memory_space<hbm>>)
    %parallel_loop3A_73 = arith.constant 0 : i32
    %parallel_loop3A_74 = arith.constant 128 : i32
    %parallel_loop3A_75 = arith.constant 1 : i32
    scf.for %parallel_loop3A_107 = %parallel_loop3A_73 to %parallel_loop3A_74 step %parallel_loop3A_75  : i32 {
      %parallel_loop3A_108 = arith.constant 0 : i32
      %parallel_loop3A_109 = vector.broadcast %parallel_loop3A_108 : i32 to vector<16xi32>
      %parallel_loop3A_110 = vector.broadcast %parallel_loop3A_107 : i32 to vector<16xi32>
      %parallel_loop3A_111 = arith.addi %parallel_loop3A_109, %parallel_loop3A_110 : vector<16xi32>
      %parallel_loop3A_112 = tpu.vector_load_idx %arg6[%parallel_loop3A_111, %get3A_14] : memref<128x128xf32, #tpu.memory_space<vmem>>[vector<16xi32>, vector<16xi32>], vector<16xf32>,
      %parallel_loop3A_113 = arith.index_cast %parallel_loop3A_107 : i32 to index
      %parallel_loop3A_114 = arith.constant 0 : index
      %parallel_loop3A_115 = tpu.vector_load %arg8[%parallel_loop3A_113, %parallel_loop3A_114] {strides = array<i32>} : memref<128x128xf32, #tpu.memory_space<vmem>>, vector<16xf32>,
      tpu.vector_store %arg8[%parallel_loop3A_113, %parallel_loop3A_114], %parallel_loop3A_112 {strides = array<i32>} : memref<128x128xf32, #tpu.memory_space<vmem>>, vector<16xf32>,
      %parallel_loop3A_116 = tpu.vector_load_idx %arg6[%parallel_loop3A_111, %get3A_16] : memref<128x128xf32, #tpu.memory_space<vmem>>[vector<16xi32>, vector<16xi32>], vector<16xf32>,
      %parallel_loop3A_117 = arith.index_cast %parallel_loop3A_107 : i32 to index
      %parallel_loop3A_118 = arith.constant 16 : index
      %parallel_loop3A_119 = tpu.vector_load %arg8[%parallel_loop3A_117, %parallel_loop3A_118] {strides = array<i32>} : memref<128x128xf32, #tpu.memory_space<vmem>>, vector<16xf32>,
      tpu.vector_store %arg8[%parallel_loop3A_117, %parallel_loop3A_118], %parallel_loop3A_116 {strides = array<i32>} : memref<128x128xf32, #tpu.memory_space<vmem>>, vector<16xf32>,
      %parallel_loop3A_120 = tpu.vector_load_idx %arg6[%parallel_loop3A_111, %get3A_18] : memref<128x128xf32, #tpu.memory_space<vmem>>[vector<16xi32>, vector<16xi32>], vector<16xf32>,
      %parallel_loop3A_121 = arith.index_cast %parallel_loop3A_107 : i32 to index
      %parallel_loop3A_122 = arith.constant 32 : index
      %parallel_loop3A_123 = tpu.vector_load %arg8[%parallel_loop3A_121, %parallel_loop3A_122] {strides = array<i32>} : memref<128x128xf32, #tpu.memory_space<vmem>>, vector<16xf32>,
      tpu.vector_store %arg8[%parallel_loop3A_121, %parallel_loop3A_122], %parallel_loop3A_120 {strides = array<i32>} : memref<128x128xf32, #tpu.memory_space<vmem>>, vector<16xf32>,
      %parallel_loop3A_124 = tpu.vector_load_idx %arg6[%parallel_loop3A_111, %get3A_20] : memref<128x128xf32, #tpu.memory_space<vmem>>[vector<16xi32>, vector<16xi32>], vector<16xf32>,
      %parallel_loop3A_125 = arith.index_cast %parallel_loop3A_107 : i32 to index
      %parallel_loop3A_126 = arith.constant 48 : index
      %parallel_loop3A_127 = tpu.vector_load %arg8[%parallel_loop3A_125, %parallel_loop3A_126] {strides = array<i32>} : memref<128x128xf32, #tpu.memory_space<vmem>>, vector<16xf32>,
      tpu.vector_store %arg8[%parallel_loop3A_125, %parallel_loop3A_126], %parallel_loop3A_124 {strides = array<i32>} : memref<128x128xf32, #tpu.memory_space<vmem>>, vector<16xf32>,
      %parallel_loop3A_128 = tpu.vector_load_idx %arg6[%parallel_loop3A_111, %get3A_22] : memref<128x128xf32, #tpu.memory_space<vmem>>[vector<16xi32>, vector<16xi32>], vector<16xf32>,
      %parallel_loop3A_129 = arith.index_cast %parallel_loop3A_107 : i32 to index
      %parallel_loop3A_130 = arith.constant 64 : index
      %parallel_loop3A_131 = tpu.vector_load %arg8[%parallel_loop3A_129, %parallel_loop3A_130] {strides = array<i32>} : memref<128x128xf32, #tpu.memory_space<vmem>>, vector<16xf32>,
      tpu.vector_store %arg8[%parallel_loop3A_129, %parallel_loop3A_130], %parallel_loop3A_128 {strides = array<i32>} : memref<128x128xf32, #tpu.memory_space<vmem>>, vector<16xf32>,
      %parallel_loop3A_132 = tpu.vector_load_idx %arg6[%parallel_loop3A_111, %get3A_24] : memref<128x128xf32, #tpu.memory_space<vmem>>[vector<16xi32>, vector<16xi32>], vector<16xf32>,
      %parallel_loop3A_133 = arith.index_cast %parallel_loop3A_107 : i32 to index
      %parallel_loop3A_134 = arith.constant 80 : index
      %parallel_loop3A_135 = tpu.vector_load %arg8[%parallel_loop3A_133, %parallel_loop3A_134] {strides = array<i32>} : memref<128x128xf32, #tpu.memory_space<vmem>>, vector<16xf32>,
      tpu.vector_store %arg8[%parallel_loop3A_133, %parallel_loop3A_134], %parallel_loop3A_132 {strides = array<i32>} : memref<128x128xf32, #tpu.memory_space<vmem>>, vector<16xf32>,
      %parallel_loop3A_136 = tpu.vector_load_idx %arg6[%parallel_loop3A_111, %get3A_26] : memref<128x128xf32, #tpu.memory_space<vmem>>[vector<16xi32>, vector<16xi32>], vector<16xf32>,
      %parallel_loop3A_137 = arith.index_cast %parallel_loop3A_107 : i32 to index
      %parallel_loop3A_138 = arith.constant 96 : index
      %parallel_loop3A_139 = tpu.vector_load %arg8[%parallel_loop3A_137, %parallel_loop3A_138] {strides = array<i32>} : memref<128x128xf32, #tpu.memory_space<vmem>>, vector<16xf32>,
      tpu.vector_store %arg8[%parallel_loop3A_137, %parallel_loop3A_138], %parallel_loop3A_136 {strides = array<i32>} : memref<128x128xf32, #tpu.memory_space<vmem>>, vector<16xf32>,
      %parallel_loop3A_140 = tpu.vector_load_idx %arg6[%parallel_loop3A_111, %get3A_28] : memref<128x128xf32, #tpu.memory_space<vmem>>[vector<16xi32>, vector<16xi32>], vector<16xf32>,
      %parallel_loop3A_141 = arith.index_cast %parallel_loop3A_107 : i32 to index
      %parallel_loop3A_142 = arith.constant 112 : index
      %parallel_loop3A_143 = tpu.vector_load %arg8[%parallel_loop3A_141, %parallel_loop3A_142] {strides = array<i32>} : memref<128x128xf32, #tpu.memory_space<vmem>>, vector<16xf32>,
      tpu.vector_store %arg8[%parallel_loop3A_141, %parallel_loop3A_142], %parallel_loop3A_140 {strides = array<i32>} : memref<128x128xf32, #tpu.memory_space<vmem>>, vector<16xf32>,
    } {sc.loop_unroll_factor = 4 : i64, sc.parallel_access}
    %add3A_76 = arith.constant 256 : i32
    %add3A_77 = arith.addi %mul3A_2, %add3A_76 : i32
    %dma_start3A_78 = arith.constant 0 : i32
    %dma_start3A_79 = tpu.memref_slice %arg4[%add3A_77, %dma_start3A_78] : memref<16384x128xf32, #tpu.memory_space<hbm>> -> memref<128x128xf32, #tpu.memory_space<hbm>>
    %dma_start3A_80 = arith.constant 0 : i32
    %dma_start3A_81 = tpu.memref_slice %arg4[%add3A_77, %dma_start3A_80] : memref<16384x128xf32, #tpu.memory_space<hbm>> -> memref<128x128xf32, #tpu.memory_space<hbm>>
    tpu.enqueue_dma source(%arg8 : memref<128x128xf32, #tpu.memory_space<vmem>>) target(%dma_start3A_81 : memref<128x128xf32, #tpu.memory_space<hbm>>) target_semaphore(%arg12 : memref<!tpu.dma_semaphore, #tpu.memory_space<semaphore_mem>>)
    %dma_wait3A_82 = arith.constant 0 : i32
    %dma_wait3A_83 = tpu.memref_slice %arg2[%add3A_54, %dma_wait3A_82] : memref<16384x128xf32, #tpu.memory_space<hbm>> -> memref<128x128xf32, #tpu.memory_space<hbm>>
    %dma_wait3A_84 = arith.constant 0 : i32
    %dma_wait3A_85 = tpu.memref_slice %arg2[%add3A_54, %dma_wait3A_84] : memref<16384x128xf32, #tpu.memory_space<hbm>> -> memref<128x128xf32, #tpu.memory_space<hbm>>
    tpu.wait_dma2 semaphore(%arg11 : memref<!tpu.dma_semaphore, #tpu.memory_space<semaphore_mem>>) src(%dma_wait3A_85 : memref<128x128xf32, #tpu.memory_space<hbm>>) dst(%arg7 : memref<128x128xf32, #tpu.memory_space<vmem>>)
    %dma_wait3A_86 = arith.constant 0 : i32
    %dma_wait3A_87 = tpu.memref_slice %arg4[%add3A_60, %dma_wait3A_86] : memref<16384x128xf32, #tpu.memory_space<hbm>> -> memref<128x128xf32, #tpu.memory_space<hbm>>
    %dma_wait3A_88 = arith.constant 0 : i32
    %dma_wait3A_89 = tpu.memref_slice %arg4[%add3A_60, %dma_wait3A_88] : memref<16384x128xf32, #tpu.memory_space<hbm>> -> memref<128x128xf32, #tpu.memory_space<hbm>>
    tpu.wait_dma2 semaphore(%arg13 : memref<!tpu.dma_semaphore, #tpu.memory_space<semaphore_mem>>) src(%arg9 : memref<128x128xf32, #tpu.memory_space<vmem>>) dst(%dma_wait3A_89 : memref<128x128xf32, #tpu.memory_space<hbm>>)
    %parallel_loop3A_90 = arith.constant 0 : i32
    %parallel_loop3A_91 = arith.constant 128 : i32
    %parallel_loop3A_92 = arith.constant 1 : i32
    scf.for %parallel_loop3A_107 = %parallel_loop3A_90 to %parallel_loop3A_91 step %parallel_loop3A_92  : i32 {
      %parallel_loop3A_108 = arith.constant 0 : i32
      %parallel_loop3A_109 = vector.broadcast %parallel_loop3A_108 : i32 to vector<16xi32>
      %parallel_loop3A_110 = vector.broadcast %parallel_loop3A_107 : i32 to vector<16xi32>
      %parallel_loop3A_111 = arith.addi %parallel_loop3A_109, %parallel_loop3A_110 : vector<16xi32>
      %parallel_loop3A_112 = tpu.vector_load_idx %arg7[%parallel_loop3A_111, %get3A_14] : memref<128x128xf32, #tpu.memory_space<vmem>>[vector<16xi32>, vector<16xi32>], vector<16xf32>,
      %parallel_loop3A_113 = arith.index_cast %parallel_loop3A_107 : i32 to index
      %parallel_loop3A_114 = arith.constant 0 : index
      %parallel_loop3A_115 = tpu.vector_load %arg9[%parallel_loop3A_113, %parallel_loop3A_114] {strides = array<i32>} : memref<128x128xf32, #tpu.memory_space<vmem>>, vector<16xf32>,
      tpu.vector_store %arg9[%parallel_loop3A_113, %parallel_loop3A_114], %parallel_loop3A_112 {strides = array<i32>} : memref<128x128xf32, #tpu.memory_space<vmem>>, vector<16xf32>,
      %parallel_loop3A_116 = tpu.vector_load_idx %arg7[%parallel_loop3A_111, %get3A_16] : memref<128x128xf32, #tpu.memory_space<vmem>>[vector<16xi32>, vector<16xi32>], vector<16xf32>,
      %parallel_loop3A_117 = arith.index_cast %parallel_loop3A_107 : i32 to index
      %parallel_loop3A_118 = arith.constant 16 : index
      %parallel_loop3A_119 = tpu.vector_load %arg9[%parallel_loop3A_117, %parallel_loop3A_118] {strides = array<i32>} : memref<128x128xf32, #tpu.memory_space<vmem>>, vector<16xf32>,
      tpu.vector_store %arg9[%parallel_loop3A_117, %parallel_loop3A_118], %parallel_loop3A_116 {strides = array<i32>} : memref<128x128xf32, #tpu.memory_space<vmem>>, vector<16xf32>,
      %parallel_loop3A_120 = tpu.vector_load_idx %arg7[%parallel_loop3A_111, %get3A_18] : memref<128x128xf32, #tpu.memory_space<vmem>>[vector<16xi32>, vector<16xi32>], vector<16xf32>,
      %parallel_loop3A_121 = arith.index_cast %parallel_loop3A_107 : i32 to index
      %parallel_loop3A_122 = arith.constant 32 : index
      %parallel_loop3A_123 = tpu.vector_load %arg9[%parallel_loop3A_121, %parallel_loop3A_122] {strides = array<i32>} : memref<128x128xf32, #tpu.memory_space<vmem>>, vector<16xf32>,
      tpu.vector_store %arg9[%parallel_loop3A_121, %parallel_loop3A_122], %parallel_loop3A_120 {strides = array<i32>} : memref<128x128xf32, #tpu.memory_space<vmem>>, vector<16xf32>,
      %parallel_loop3A_124 = tpu.vector_load_idx %arg7[%parallel_loop3A_111, %get3A_20] : memref<128x128xf32, #tpu.memory_space<vmem>>[vector<16xi32>, vector<16xi32>], vector<16xf32>,
      %parallel_loop3A_125 = arith.index_cast %parallel_loop3A_107 : i32 to index
      %parallel_loop3A_126 = arith.constant 48 : index
      %parallel_loop3A_127 = tpu.vector_load %arg9[%parallel_loop3A_125, %parallel_loop3A_126] {strides = array<i32>} : memref<128x128xf32, #tpu.memory_space<vmem>>, vector<16xf32>,
      tpu.vector_store %arg9[%parallel_loop3A_125, %parallel_loop3A_126], %parallel_loop3A_124 {strides = array<i32>} : memref<128x128xf32, #tpu.memory_space<vmem>>, vector<16xf32>,
      %parallel_loop3A_128 = tpu.vector_load_idx %arg7[%parallel_loop3A_111, %get3A_22] : memref<128x128xf32, #tpu.memory_space<vmem>>[vector<16xi32>, vector<16xi32>], vector<16xf32>,
      %parallel_loop3A_129 = arith.index_cast %parallel_loop3A_107 : i32 to index
      %parallel_loop3A_130 = arith.constant 64 : index
      %parallel_loop3A_131 = tpu.vector_load %arg9[%parallel_loop3A_129, %parallel_loop3A_130] {strides = array<i32>} : memref<128x128xf32, #tpu.memory_space<vmem>>, vector<16xf32>,
      tpu.vector_store %arg9[%parallel_loop3A_129, %parallel_loop3A_130], %parallel_loop3A_128 {strides = array<i32>} : memref<128x128xf32, #tpu.memory_space<vmem>>, vector<16xf32>,
      %parallel_loop3A_132 = tpu.vector_load_idx %arg7[%parallel_loop3A_111, %get3A_24] : memref<128x128xf32, #tpu.memory_space<vmem>>[vector<16xi32>, vector<16xi32>], vector<16xf32>,
      %parallel_loop3A_133 = arith.index_cast %parallel_loop3A_107 : i32 to index
      %parallel_loop3A_134 = arith.constant 80 : index
      %parallel_loop3A_135 = tpu.vector_load %arg9[%parallel_loop3A_133, %parallel_loop3A_134] {strides = array<i32>} : memref<128x128xf32, #tpu.memory_space<vmem>>, vector<16xf32>,
      tpu.vector_store %arg9[%parallel_loop3A_133, %parallel_loop3A_134], %parallel_loop3A_132 {strides = array<i32>} : memref<128x128xf32, #tpu.memory_space<vmem>>, vector<16xf32>,
      %parallel_loop3A_136 = tpu.vector_load_idx %arg7[%parallel_loop3A_111, %get3A_26] : memref<128x128xf32, #tpu.memory_space<vmem>>[vector<16xi32>, vector<16xi32>], vector<16xf32>,
      %parallel_loop3A_137 = arith.index_cast %parallel_loop3A_107 : i32 to index
      %parallel_loop3A_138 = arith.constant 96 : index
      %parallel_loop3A_139 = tpu.vector_load %arg9[%parallel_loop3A_137, %parallel_loop3A_138] {strides = array<i32>} : memref<128x128xf32, #tpu.memory_space<vmem>>, vector<16xf32>,
      tpu.vector_store %arg9[%parallel_loop3A_137, %parallel_loop3A_138], %parallel_loop3A_136 {strides = array<i32>} : memref<128x128xf32, #tpu.memory_space<vmem>>, vector<16xf32>,
      %parallel_loop3A_140 = tpu.vector_load_idx %arg7[%parallel_loop3A_111, %get3A_28] : memref<128x128xf32, #tpu.memory_space<vmem>>[vector<16xi32>, vector<16xi32>], vector<16xf32>,
      %parallel_loop3A_141 = arith.index_cast %parallel_loop3A_107 : i32 to index
      %parallel_loop3A_142 = arith.constant 112 : index
      %parallel_loop3A_143 = tpu.vector_load %arg9[%parallel_loop3A_141, %parallel_loop3A_142] {strides = array<i32>} : memref<128x128xf32, #tpu.memory_space<vmem>>, vector<16xf32>,
      tpu.vector_store %arg9[%parallel_loop3A_141, %parallel_loop3A_142], %parallel_loop3A_140 {strides = array<i32>} : memref<128x128xf32, #tpu.memory_space<vmem>>, vector<16xf32>,
    } {sc.loop_unroll_factor = 4 : i64, sc.parallel_access}
    %add3A_93 = arith.constant 384 : i32
    %add3A_94 = arith.addi %mul3A_2, %add3A_93 : i32
    %dma_start3A_95 = arith.constant 0 : i32
    %dma_start3A_96 = tpu.memref_slice %arg4[%add3A_94, %dma_start3A_95] : memref<16384x128xf32, #tpu.memory_space<hbm>> -> memref<128x128xf32, #tpu.memory_space<hbm>>
    %dma_start3A_97 = arith.constant 0 : i32
    %dma_start3A_98 = tpu.memref_slice %arg4[%add3A_94, %dma_start3A_97] : memref<16384x128xf32, #tpu.memory_space<hbm>> -> memref<128x128xf32, #tpu.memory_space<hbm>>
    tpu.enqueue_dma source(%arg9 : memref<128x128xf32, #tpu.memory_space<vmem>>) target(%dma_start3A_98 : memref<128x128xf32, #tpu.memory_space<hbm>>) target_semaphore(%arg13 : memref<!tpu.dma_semaphore, #tpu.memory_space<semaphore_mem>>)
    %dma_wait3A_99 = arith.constant 0 : i32
    %dma_wait3A_100 = tpu.memref_slice %arg4[%add3A_77, %dma_wait3A_99] : memref<16384x128xf32, #tpu.memory_space<hbm>> -> memref<128x128xf32, #tpu.memory_space<hbm>>
    %dma_wait3A_101 = arith.constant 0 : i32
    %dma_wait3A_102 = tpu.memref_slice %arg4[%add3A_77, %dma_wait3A_101] : memref<16384x128xf32, #tpu.memory_space<hbm>> -> memref<128x128xf32, #tpu.memory_space<hbm>>
    tpu.wait_dma2 semaphore(%arg12 : memref<!tpu.dma_semaphore, #tpu.memory_space<semaphore_mem>>) src(%arg8 : memref<128x128xf32, #tpu.memory_space<vmem>>) dst(%dma_wait3A_102 : memref<128x128xf32, #tpu.memory_space<hbm>>)
    %dma_wait3A_103 = arith.constant 0 : i32
    %dma_wait3A_104 = tpu.memref_slice %arg4[%add3A_94, %dma_wait3A_103] : memref<16384x128xf32, #tpu.memory_space<hbm>> -> memref<128x128xf32, #tpu.memory_space<hbm>>
    %dma_wait3A_105 = arith.constant 0 : i32
    %dma_wait3A_106 = tpu.memref_slice %arg4[%add3A_94, %dma_wait3A_105] : memref<16384x128xf32, #tpu.memory_space<hbm>> -> memref<128x128xf32, #tpu.memory_space<hbm>>
    tpu.wait_dma2 semaphore(%arg13 : memref<!tpu.dma_semaphore, #tpu.memory_space<semaphore_mem>>) src(%arg9 : memref<128x128xf32, #tpu.memory_space<vmem>>) dst(%dma_wait3A_106 : memref<128x128xf32, #tpu.memory_space<hbm>>)
    return
  }
}

</mosaic_0001>

<sc_bundles>
// kernel: kernel.3.cloned.1.call-start
scs
__scs_entry_jumppad:
0x0: {  	(pc) =	sbr.rel $0x88, $3  }
0x1: {  	(tag) =	ssettag $0x0;
	lr =	simm.s32 $0x1  }
0x2: {  	[smem:$0x3F9F] =	sst lr;
	_ =	strace $0xD0000000  }
0x3: {  	_ = 	snop  }
0x4: {  	_ = 	snop  }
0x5: {  	_ = 	snop  }
0x6: {  	_ = 	snop  }
0x7: {  	_ = 	snop  }
__scs_overlays_trampoline_lowered:
0x8: {  	[smem:$0x3FAE] =	sst s0  }
0x9: {  	[smem:$0x3FAF] =	sst s1  }
0xa: {  	[smem:$0x3FB0] =	sst s2  }
0xb: {  	[smem:$0x3FB1] =	sst s3  }
0xc: {  	[smem:$0x3FB2] =	sst s4  }
0xd: {  	[smem:$0x3FB3] =	sst s5  }
0xe: {  	[smem:$0x3FB4] =	sst s6  }
0xf: {  	[smem:$0x3FB5] =	sst s7  }
0x10: {  	[smem:$0x3FB6] =	sst s8  }
0x11: {  	[smem:$0x3FB7] =	sst s9;
	s0 =	simm.s32 @!p0 $0x0  }
0x12: {  	s1 =	sld [smem:$0x3F9D];
	s0 =	simm.s32 @p0 $0x1  }
0x13: {  	[smem:$0x3FB8] =	sst s0;
	s0 =	simm.s32 @!p1 $0x0  }
0x14: {  	s2 =	sld [smem:$0x3F9C];
	s0 =	simm.s32 @p1 $0x1  }
0x15: {  	[smem:$0x3FB9] =	sst s0;
	s0 =	simm.s32 @!p2 $0x0  }
0x16: {  	s3 =	sld [smem:$0x3FDB];
	s0 =	simm.s32 @p2 $0x1  }
0x17: {  	s4 =	simm.s32 $0x1BF5;
	[smem:$0x3FBB] =	sst s0  }
0x18: {  	s0 =	sld [smem:$0x3F9E];
	_ =	swait.ge [sflag:s4], $0x0  }
0x19: {  	s7 =	sld [smem:$0x3F9F]  }
0x1a: {  	s8 =	sadd.s32 $0xFFFFE003, lr  }
0x1b: {  	s9 =	sadd.s32 $0xFFFFFEF7, lr;
	s5 =	simm.s32 $0xFFFFFFFF;
	p2 =	slt.u32 s8, $0xFFFFF086  }
0x1c: {  	p1 =	slt.u32 s9, $0xF7A;
	s5 =	simm.s32 @!p2 $0x0  }
0x1d: {  	s5 =	simm.s32 @p1 $0x1;
	p0 =	seq.s32 s7, s2  }
0x1e: {  	s7 =	smul.u32 @!p0 $0xF7A, s2;
	p2 =	seq.s32 @!p0 s5, $0x0  }
0x1f: {  	s9 =	smul.u32 $0xF7A, s1;
	s8 =	simm.s32 @!p0 $0x1BF5;
	p2 =	por !p2, p0  }
0x20: {  	[sflag:s8] =	ssyncset.s32 @!p0 $0xFFFFF086;
	s6 =	sadd.s32 @!p0 s3, s7;
	s7 =	simm.s32 @!p0 $0x108  }
0x21: {  	s3 =	sadd.s32 s3, s9;
	s6 =	sadd.s32 @!p0 $0x88, s6;
	s7 =	simm.s32 @p2 $0x1082  }
0x22: {  	[simem:s7], [sflag:s8] =	dma.local @!p0 [hbm:s6], $0xF7A  }
0x23: {  	s9 =	sor.u32 $0xD0000000, s2;
	s6 =	simm.s32 $0x108;
	_ =	swait.ge @!p0 [sflag:s8], $0x0  }
0x24: {  	s3 =	sadd.s32 $0x88, s3;
	s6 =	simm.s32 @!p1 $0x1082;
	[sflag:s4] =	ssyncset.s32 $0xFFFFF086  }
0x25: {  	[simem:s6], [sflag:s4] =	dma.local [hbm:s3], $0xF7A  }
0x26: {  	[smem:$0x3F9F] =	sst s1;
	(tag) =	ssettag s2;
	_ =	strace s9  }
0x27: {  	s1 =	sld [smem:$0x3FAF]  }
0x28: {  	s2 =	sld [smem:$0x3FB0]  }
0x29: {  	s4 =	sld [smem:$0x3FB2]  }
0x2a: {  	p0 =	seq.s32 s5, $0x0;
	s5 =	sld [smem:$0x3FB3]  }
0x2b: {  	s6 =	sld [smem:$0x3FB4]  }
0x2c: {  	s7 =	sld [smem:$0x3FB5]  }
0x2d: {  	s3 =	simm.s32 $0x108;
	s8 =	sld [smem:$0x3FB6]  }
0x2e: {  	s3 =	simm.s32 @!p0 $0x1082;
	s9 =	sld [smem:$0x3FB7]  }
0x2f: {  	lr =	sadd.s32 s0, s3;
	s0 =	sld [smem:$0x3FAE]  }
0x30: {  	s3 =	sld [smem:$0x3FB1]  }
0x31: {  	[smem:$0x3FBA] =	sst s10  }
0x32: {  	s10 =	sld [smem:$0x3FB8];
	_ =	sdelay $0x3  }
0x33: {  	p0 =	seq.s32 s10, $0x1;
	s10 =	sld [smem:$0x3FBA];
	_ =	sdelay $0x3  }
0x34: {  	[smem:$0x3FBA] =	sst s10  }
0x35: {  	s10 =	sld [smem:$0x3FB9];
	_ =	sdelay $0x3  }
0x36: {  	p1 =	seq.s32 s10, $0x1;
	s10 =	sld [smem:$0x3FBA];
	_ =	sdelay $0x3  }
0x37: {  	[smem:$0x3FBA] =	sst s10  }
0x38: {  	s10 =	sld [smem:$0x3FBB]  }
0x39: {  	_ = 	snop;
	(pc) =	sbr.ind lr, $3  }
0x3a: {  	_ = 	snop  }
0x3b: {  	_ = 	snop  }
0x3c: {  	p2 =	seq.s32 s10, $0x1;
	s10 =	sld [smem:$0x3FBA]  }
0x3d: {  	_ =	shalt  }
0x3e: {  	_ =	shalt  }
0x3f: {  	_ =	shalt  }
0x40: {  	_ =	shalt  }
0x41: {  	_ =	shalt  }
0x42: {  	_ =	shalt  }
0x43: {  	_ =	shalt  }
0x44: {  	_ =	shalt  }
0x45: {  	_ =	shalt  }
0x46: {  	_ =	shalt  }
0x47: {  	_ =	shalt  }
0x48: {  	_ =	shalt  }
0x49: {  	_ =	shalt  }
0x4a: {  	_ =	shalt  }
0x4b: {  	_ =	shalt  }
0x4c: {  	_ =	shalt  }
0x4d: {  	_ =	shalt  }
0x4e: {  	_ =	shalt  }
0x4f: {  	_ =	shalt  }
0x50: {  	_ =	shalt  }
0x51: {  	_ =	shalt  }
0x52: {  	_ =	shalt  }
0x53: {  	_ =	shalt  }
0x54: {  	_ =	shalt  }
0x55: {  	_ =	shalt  }
0x56: {  	_ =	shalt  }
0x57: {  	_ =	shalt  }
0x58: {  	_ =	shalt  }
0x59: {  	_ =	shalt  }
0x5a: {  	_ =	shalt  }
0x5b: {  	_ =	shalt  }
0x5c: {  	_ =	shalt  }
0x5d: {  	_ =	shalt  }
0x5e: {  	_ =	shalt  }
0x5f: {  	_ =	shalt  }
0x60: {  	_ =	shalt  }
0x61: {  	_ =	shalt  }
0x62: {  	_ =	shalt  }
0x63: {  	_ =	shalt  }
0x64: {  	_ =	shalt  }
0x65: {  	_ =	shalt  }
0x66: {  	_ =	shalt  }
0x67: {  	_ =	shalt  }
0x68: {  	_ =	shalt  }
0x69: {  	_ =	shalt  }
0x6a: {  	_ =	shalt  }
0x6b: {  	_ =	shalt  }
0x6c: {  	_ =	shalt  }
0x6d: {  	_ =	shalt  }
0x6e: {  	_ =	shalt  }
0x6f: {  	_ =	shalt  }
0x70: {  	_ =	shalt  }
0x71: {  	_ =	shalt  }
0x72: {  	_ =	shalt  }
0x73: {  	_ =	shalt  }
0x74: {  	_ =	shalt  }
0x75: {  	_ =	shalt  }
0x76: {  	_ =	shalt  }
0x77: {  	_ =	shalt  }
0x78: {  	_ =	shalt  }
0x79: {  	_ =	shalt  }
0x7a: {  	_ =	shalt  }
0x7b: {  	_ =	shalt  }
0x7c: {  	_ =	shalt  }
0x7d: {  	_ =	shalt  }
0x7e: {  	_ =	shalt  }
0x7f: {  	_ =	shalt  }
0x80: {  	_ =	shalt  }
0x81: {  	_ =	shalt  }
0x82: {  	_ =	shalt  }
0x83: {  	_ =	shalt  }
0x84: {  	_ =	shalt  }
0x85: {  	_ =	shalt  }
0x86: {  	_ =	shalt  }
0x87: {  	_ =	shalt  }
.Lfunc_end0:
.L_simem_size_0:
called_computation_lowered:
.L_overlay_start_0:
0x88: {  	s2 =	sld [smem:$0x3FD9]  }
0x89: {  	s3 =	sld [smem:$0x3FFE];
	_ =	sdelay $0x1  }
0x8a: {  	s1 =	srdreg.scid  }
0x8b: {  	s0 =	sand.u32 $0x1, s1  }
0x8c: {  	s18 =	sshll.u32 s0, $0xA;
	s2 =	sadd.s32 s3, s2  }
0x8d: {  	s2 =	sadd.s32 s2, s18  }
0x8e: {  	[smem:$0x3FC6] =	sst s2  }
0x8f: {  	_ = 	snop  }
0x90: {  	s2 =	sld [smem:$0x3FC9]  }
0x91: {  	s19 =	sld [smem:$0x3FC8]  }
0x92: {  	s4 =	sld [smem:$0x3FD0];
	(tm) =	ssettm $0x1  }
0x93: {  	s5 =	sld [smem:$0x3FFB];
	_ =	sdelay $0x3  }
0x94: {  	_ =	strace s5  }
0x95: {  	s5 =	sld [smem:$0x3FFC];
	_ =	sdelay $0x3  }
0x96: {  	_ =	strace s5  }
0x97: {  	s5 =	sld [smem:$0x3FFD];
	_ =	sdelay $0x3  }
0x98: {  	_ =	strace s5  }
0x99: {  	_ =	strace $0x8FFFFFFF  }
0x9a: {  	s20 =	sld [smem:$0x3FDB];
	_ =	sdelay $0x1  }
0x9b: {  	s6 =	simm.s32 $_scs_section_size  }
0x9c: {  	s7 =	simm.s32 $_size__tile_overlayer_lowered;
	s8 =	simm.s32 $_tile_overlayer_lowered  }
0x9d: {  	s23 =	simm.s32 $0x1BFF;
	s22 =	sshll.u32 s8, $0x1;
	s5 =	sadd.s32 s6, s20  }
0x9e: {  	s9 =	simm.s32 $0x0;
	s21 =	sshll.u32 s7, $0x1;
	s7 =	sadd.s32 s22, s5  }
0x9f: {  	[timem:s9], [sflag:s23] =	dma.local [hbm:s7], s21  }
0xa0: {  	_ =	swait.ge [sflag:s23], s21  }
0xa1: {  	s6 =	ssub.s32 $0x0, s21;
	[sflag:s23] =	ssyncset.done $0x0  }
0xa2: {  	[sflag:s23] =	ssyncadd.s32 s6;
	_ =	sdelay $0x1  }
0xa3: {  	s24 =	simm.s32 $0x1B8B  }
0xa4: {  	_ =	swait.ge [sflag:s24], $0x1  }
0xa5: {  	[sflag:s24] =	ssyncset.done $0x0  }
0xa6: {  	s25 =	simm.s32 $0x1B8E;
	[sflag:s24] =	ssyncadd.s32 $0xFFFFFFFF  }
0xa7: {  	s26 =	simm.s32 $execute0_lowered;
	[smem:$0x3FD2] =	sst s25  }
0xa8: {  	s6 =	sshll.u32 s26, $0x1;
	_ =	strace $0x80000046;
	[dreg:$0x1] =	wrdreg $0xFFFFFFFF  }
0xa9: {  	s28 =	simm.s32 $_size_execute0_lowered;
	s5 =	sadd.s32 s5, s6;
	[dreg:$0x0] =	wrdreg $0x0  }
0xaa: {  	s6 =	sshll.u32 s28, $0x1;
	[dreg:$0x2] =	wrdreg s5  }
0xab: {  	[dreg:$0x3] =	wrdreg s6  }
0xac: {  	[dreg:$0x4] =	wrdreg $0xC0  }
0xad: {  	_ =	task [dreg:s9], $0x5FFFF  }
0xae: {  	[dreg:$0x1] =	wrdreg $0xFFFFFFFF  }
0xaf: {  	[dreg:$0x0] =	wrdreg $0x60  }
0xb0: {  	[dreg:$0x2] =	wrdreg s2  }
0xb1: {  	[dreg:$0x3] =	wrdreg s19  }
0xb2: {  	[dreg:$0x4] =	wrdreg s4  }
0xb3: {  	[dreg:$0x5] =	wrdreg $0x9  }
0xb4: {  	_ =	task.clear_ibuf [dreg:s9], $0x6FFFF;
	_ =	strace $0x90000046  }
0xb5: {  	s29 =	simm.s32 $0x9;
	_ =	strace $0x80000048  }
0xb6: {  	_ =	swait.ge [sflag:s29], $0x1  }
0xb7: {  	[sflag:s29] =	ssyncadd.s32 $0xFFFFFFFF  }
0xb8: {  	_ =	strace $0x90000048  }
0xb9: {  	_ =	sfence  }
0xba: {  	s30 =	sld [smem:$0x0];
	_ =	sdelay $0x2  }
0xbb: {  	s31 =	sshll.u32 s1, $0xD;
	s1 =	sshrl.u32 s1, $0x2  }
0xbc: {  	s3 =	sand.u32 $0x4000, s31;
	s1 =	sadd.s32 s1, s30  }
0xbd: {  	s0 =	sor.u32 s3, s0;
	s1 =	sshll.u32 s1, $0x11  }
0xbe: {  	s0 =	sor.u32 s1, s0  }
0xbf: {  	s0 =	sadd.s32 $0x8F2B, s0  }
0xc0: {  	[sflag:s0] =	ssyncadd.remote.s32 $0x1  }
0xc1: {  	_ =	sfence.sel $0xFFFF  }
0xc2: {  	[dreg:$0x0] =	wrdreg $0xFFFFFFFF;
	(pc) =	sbr.abs _section_cstart, $3  }
0xc3: {  	[dreg:$0x1] =	wrdreg $0xFFFFFFFF  }
0xc4: {  	_ =	task.clear_ibuf [dreg:s9], $0x2FFFF;
	_ =	strace $0x9FFFFFFF  }
0xc5: {  	(tm) =	ssettm $0x7FFFFFFF  }
tec
execute0_lowered:
.L_overlay_start_1:
0x0: {  	(tag) =	ssettag $0x1  }
0x1: {  	s0 =	rddreg [dreg:$0x0]  }
0x2: {  	s1 =	rddreg [dreg:$0x2];
	s2 =	srdreg.scid  }
0x3: {  	s3 =	simm.s32 $0x0;
	s5 =	stileid.u32;
	s13 =	simm.s32 $0x80  }
0x4: {  	s14 =	simm.s32 $0x4080;
	s15 =	simm.s32 $0x5;
	s16 =	simm.s32 $0x1  }
0x5: {  	s18 =	simm.s32 $0x2;
	s20 =	simm.s32 $0x3;
	s21 =	simm.s32 $0x4  }
0x6: {  	s22 =	simm.s32 $0x0;
	s2 =	sand.u32 $0x1, s2;
	s5 =	sshll.u32 s5, $0xE  }
0x7: {  	[smem:$0x7FF] =	sst s3;
	s4 =	ssub.s32 $0x2, s2;
	s2 =	sshll.u32 s2, $0xD  }
0x8: {  	_ =	strace $0x80000047;
	s6 =	sshrl.u32 s4, $0x1;
	s2 =	sor.u32 s2, s5  }
0x9: {  	s4 =	ssub.s32 s4, s6;
	s9 =	sor.u32 $0x800, s2;
	s5 =	sadd.s32 s0, s2  }
0xa: {  	s10 =	sor.u32 $0x1000, s2;
	s7 =	sadd.s32 s1, s2;
	s2 =	sor.u32 $0x1800, s2  }
0xb: {  	[dreg:$0x4] =	wrdreg s5;
	s31 =	sadd.s32 s0, s9;
	s6 =	sadd.s32 s0, s10  }
0xc: {  	s8 =	sadd.s32 s0, s2;
	s9 =	sadd.s32 s1, s9;
	s10 =	sadd.s32 s1, s10  }
0xd: {  	s11 =	sadd.s32 s1, s2;
	s12 =	smax.u32 s4, $0x1;
	[dreg:$0x5] =	wrdreg s31  }
.LBB2_1:
0xe: {  	s0 =	rddreg [dreg:$0x4]  }
0xf: {  	[tilespmem:s13], [sflag:$0x1] =	stream.linear.gather [hbm4b:s0+s3], $0x4000, $0x38;
	[tilespmem:$0x10080] =	vst v63  }
0x10: {  	s5 =	rddreg [dreg:$0x5]  }
0x11: {  	[tilespmem:s14], [sflag:$0x2] =	stream.linear.gather [hbm4b:s5+s3], $0x4000, $0x38;
	[tilespmem:$0x10080] =	vst v63  }
0x12: {  	s17 =	rddreg [dreg:$0x1]  }
0x13: {  	[tilespmem:s3], [sflag:$0x5] =	stream.linear.gather [hbm4b:s17+s3], $0x80, $0x38;
	[tilespmem:$0x10080] =	vst v63  }
0x14: {  	_ =	swait.ge [sflag:s15], $0x80  }
0x15: {  	[sflag:s15] =	ssyncset.done $0x0  }
0x16: {  	[sflag:s15] =	ssyncadd.s32 $0xFFFFFF80  }
0x17: {  	v5 =	vld [tilespmem:$0x0]  }
0x18: {  	v6 =	vld [tilespmem:$0x10]  }
0x19: {  	v7 =	vld [tilespmem:$0x20]  }
0x1a: {  	v4 =	vld [tilespmem:$0x30]  }
0x1b: {  	s19 =	simm.s32 $0x80;
	v3 =	vld [tilespmem:$0x40]  }
0x1c: {  	v2 =	vld [tilespmem:$0x50];
	v8 =	vadd.s32 s19, v5  }
0x1d: {  	s24 =	simm.s32 $0x0;
	v1 =	vld [tilespmem:$0x60]  }
0x1e: {  	v0 =	vld [tilespmem:$0x70];
	_ =	swait.ge [sflag:s16], $0x4000;
	v9 =	vadd.s32 s24, v5  }
0x1f: {  	s25 =	simm.s32 $0x180;
	[sflag:s16] =	ssyncset.done $0x0  }
0x20: {  	s26 =	simm.s32 $0x100;
	[sflag:s16] =	ssyncadd.s32 $0xFFFFC000;
	v10 =	vadd.s32 s25, v5  }
0x21: {  	v11 =	vadd.s32 s26, v5;
	v8 =	vld.idx.msk [tilespmem:v8+s13+$0x0], $0xffff  }
0x22: {  	v12 =	vadd.s32 s19, v6  }
0x23: {  	v9 =	vld.idx.msk [tilespmem:v9+s13+$0x0], $0xffff  }
0x24: {  	v13 =	vadd.s32 s24, v6  }
0x25: {  	s23 =	simm.s32 $0x8180;
	v10 =	vld.idx.msk [tilespmem:v10+s13+$0x0], $0xffff  }
0x26: {  	v14 =	vadd.s32 s25, v6;
	v11 =	vld.idx.msk [tilespmem:v11+s13+$0x0], $0xffff;
	[tilespmem:s23+$0xFFFFFF80] =	vst v8  }
0x27: {  	v8 =	vadd.s32 s26, v6;
	v12 =	vld.idx.msk [tilespmem:v12+s13+$0x0], $0xffff  }
0x28: {  	[tilespmem:s23+$0xFFFFFF00] =	vst v9;
	v9 =	vadd.s32 s19, v7  }
0x29: {  	v13 =	vld.idx.msk [tilespmem:v13+s13+$0x0], $0xffff  }
0x2a: {  	s29 =	simm.s32 $0x280;
	v15 =	vadd.s32 s24, v7;
	[tilespmem:s23+$0x80] =	vst v10  }
0x2b: {  	v16 =	vadd.s32 s29, v5;
	[tilespmem:s23+$0x0] =	vst v11;
	v10 =	vld.idx.msk [tilespmem:v14+s13+$0x0], $0xffff  }
0x2c: {  	v11 =	vadd.s32 s25, v7;
	v8 =	vld.idx.msk [tilespmem:v8+s13+$0x0], $0xffff;
	[tilespmem:s23+$0xFFFFFF90] =	vst v12  }
0x2d: {  	v12 =	vadd.s32 s26, v7;
	v9 =	vld.idx.msk [tilespmem:v9+s13+$0x0], $0xffff  }
0x2e: {  	s30 =	simm.s32 $0x300;
	[tilespmem:s23+$0xFFFFFF10] =	vst v13;
	v13 =	vadd.s32 s19, v4  }
0x2f: {  	v17 =	vadd.s32 s30, v5;
	v14 =	vld.idx.msk [tilespmem:v15+s13+$0x0], $0xffff  }
0x30: {  	s28 =	simm.s32 $0x200;
	v16 =	vld.idx.msk [tilespmem:v16+s13+$0x0], $0xffff;
	[tilespmem:s23+$0x90] =	vst v10;
	v15 =	vadd.s32 s24, v4  }
0x31: {  	v10 =	vld.idx.msk [tilespmem:v11+s13+$0x0], $0xffff;
	[tilespmem:s23+$0x10] =	vst v8;
	v8 =	vadd.s32 s28, v5  }
0x32: {  	v11 =	vld.idx.msk [tilespmem:v12+s13+$0x0], $0xffff;
	[tilespmem:s23+$0xFFFFFFA0] =	vst v9;
	v9 =	vadd.s32 s25, v4  }
0x33: {  	v12 =	vadd.s32 s26, v4;
	v13 =	vld.idx.msk [tilespmem:v13+s13+$0x0], $0xffff  }
0x34: {  	v17 =	vld.idx.msk [tilespmem:v17+s13+$0x0], $0xffff;
	[tilespmem:s23+$0xFFFFFF20] =	vst v14;
	v14 =	vadd.s32 s19, v3  }
0x35: {  	s31 =	simm.s32 $0x380;
	v15 =	vld.idx.msk [tilespmem:v15+s13+$0x0], $0xffff  }
0x36: {  	v18 =	vadd.s32 s31, v5;
	[tilespmem:s23+$0xA0] =	vst v10;
	v8 =	vld.idx.msk [tilespmem:v8+s13+$0x0], $0xffff  }
0x37: {  	v10 =	vadd.s32 s28, v6;
	[tilespmem:s23+$0x20] =	vst v11;
	v9 =	vld.idx.msk [tilespmem:v9+s13+$0x0], $0xffff  }
0x38: {  	s2 =	simm.s32 $0x8380;
	v11 =	vld.idx.msk [tilespmem:v12+s13+$0x0], $0xffff;
	v12 =	vadd.s32 s25, v3;
	[tilespmem:s23+$0xFFFFFFB0] =	vst v13  }
0x39: {  	[tilespmem:s2+$0xFFFFFF80] =	vst v16;
	v13 =	vld.idx.msk [tilespmem:v14+s13+$0x0], $0xffff;
	v14 =	vadd.s32 s24, v3  }
0x3a: {  	v19 =	vadd.s32 s29, v6;
	[tilespmem:s23+$0xFFFFFF30] =	vst v15  }
0x3b: {  	v16 =	vld.idx.msk [tilespmem:v18+s13+$0x0], $0xffff;
	v15 =	vadd.s32 s26, v3;
	[tilespmem:s2+$0xFFFFFF00] =	vst v8  }
0x3c: {  	v8 =	vadd.s32 s30, v6;
	v10 =	vld.idx.msk [tilespmem:v10+s13+$0x0], $0xffff;
	[tilespmem:s23+$0xB0] =	vst v9  }
0x3d: {  	v9 =	vld.idx.msk [tilespmem:v12+s13+$0x0], $0xffff;
	v12 =	vadd.s32 s19, v2  }
0x3e: {  	v18 =	vadd.s32 s28, v7;
	[tilespmem:s2+$0x0] =	vst v17;
	v14 =	vld.idx.msk [tilespmem:v14+s13+$0x0], $0xffff  }
0x3f: {  	v17 =	vld.idx.msk [tilespmem:v19+s13+$0x0], $0xffff;
	v19 =	vadd.s32 s24, v2;
	[tilespmem:s23+$0x30] =	vst v11  }
0x40: {  	v20 =	vadd.s32 s31, v6;
	v25 =	vld.idx.msk [tilespmem:v15+s13+$0x0], $0xffff  }
0x41: {  	v22 =	vadd.s32 s29, v7;
	[tilespmem:s23+$0xFFFFFFC0] =	vst v13;
	v21 =	vld.idx.msk [tilespmem:v8+s13+$0x0], $0xffff  }
0x42: {  	v24 =	vadd.s32 s30, v7;
	[tilespmem:s2+$0xFFFFFF10] =	vst v10;
	v23 =	vld.idx.msk [tilespmem:v12+s13+$0x0], $0xffff  }
0x43: {  	v26 =	vadd.s32 s19, v1;
	v13 =	vld.idx.msk [tilespmem:v18+s13+$0x0], $0xffff;
	[tilespmem:s23+$0xFFFFFF40] =	vst v14  }
0x44: {  	[tilespmem:s2+$0x80] =	vst v16;
	v11 =	vld.idx.msk [tilespmem:v19+s13+$0x0], $0xffff;
	v19 =	vadd.s32 s26, v2  }
0x45: {  	v16 =	vadd.s32 s28, v4;
	[tilespmem:s2+$0xFFFFFF90] =	vst v17;
	v18 =	vld.idx.msk [tilespmem:v20+s13+$0x0], $0xffff  }
0x46: {  	v12 =	vadd.s32 s25, v2;
	v14 =	vld.idx.msk [tilespmem:v22+s13+$0x0], $0xffff;
	[tilespmem:s2+$0x10] =	vst v21  }
0x47: {  	v8 =	vadd.s32 s30, v4;
	v21 =	vadd.s32 s31, v7;
	v15 =	vld.idx.msk [tilespmem:v24+s13+$0x0], $0xffff;
	[tilespmem:s23+$0xFFFFFFD0] =	vst v23  }
0x48: {  	s1 =	simm.s32 $0x8;
	s0 =	simm.s32 $0x8380;
	v10 =	vadd.s32 s19, v0;
	v20 =	vadd.s32 s29, v4;
	[tilespmem:s23+$0x40] =	vst v25;
	v17 =	vld.idx.msk [tilespmem:v26+s13+$0x0], $0xffff  }
.LBB2_2:
0x49: {  	s4 =	sshll.u32 s1, $0x7;
	p0 =	slt.u32 s1, $0x7C;
	s1 =	sadd.s32 $0x4, s1;
	[tilespmem:s2+$0xFFFFFF20] =	vst v13;
	v13 =	vld.idx.msk [tilespmem:v19+s13+$0x0], $0xffff  }
0x4a: {  	v22 =	vadd.s32 s26, v1;
	v19 =	vadd.s32 s4, v5;
	s17 =	sadd.s32 $0x80, s4;
	s19 =	sadd.s32 $0x180, s4;
	v16 =	vld.idx.msk [tilespmem:v16+s13+$0x0], $0xffff;
	[tilespmem:s23+$0xC0] =	vst v9  }
0x4b: {  	s5 =	sadd.s32 $0x100, s4;
	v9 =	vadd.s32 s17, v5;
	v23 =	vadd.s32 s19, v5;
	[tilespmem:s2+$0x90] =	vst v18;
	v12 =	vld.idx.msk [tilespmem:v12+s13+$0x0], $0xffff  }
0x4c: {  	v18 =	vadd.s32 s5, v5;
	v24 =	vadd.s32 s5, v4;
	[tilespmem:s2+$0xFFFFFFA0] =	vst v14;
	v14 =	vld.idx.msk [tilespmem:v21+s13+$0x0], $0xffff;
	v21 =	vadd.s32 s24, v1  }
0x4d: {  	v20 =	vld.idx.msk [tilespmem:v20+s13+$0x0], $0xffff;
	[tilespmem:s2+$0x20] =	vst v15  }
0x4e: {  	v25 =	vadd.s32 s31, v4;
	v15 =	vld.idx.msk [tilespmem:v8+s13+$0x0], $0xffff;
	[tilespmem:s23+$0xFFFFFFE0] =	vst v17;
	v8 =	vmov v24  }
0x4f: {  	v17 =	vadd.s32 s29, v3;
	v10 =	vld.idx.msk [tilespmem:v10+s13+$0x0], $0xffff;
	[tilespmem:s23+$0x50] =	vst v13  }
0x50: {  	[tilespmem:s23+$0xFFFFFF50] =	vst v11;
	v11 =	vld.idx.msk [tilespmem:v22+s13+$0x0], $0xffff  }
0x51: {  	v13 =	vld.idx.msk [tilespmem:v19+s13+$0x0], $0xffff;
	v19 =	vadd.s32 s4, v6;
	[tilespmem:s2+$0xFFFFFF30] =	vst v16;
	v16 =	vadd.s32 s25, v1  }
0x52: {  	v22 =	vadd.s32 s17, v6;
	[tilespmem:s2+$0xA0] =	vst v14;
	v14 =	vld.idx.msk [tilespmem:v21+s13+$0x0], $0xffff  }
0x53: {  	v21 =	vadd.s32 s5, v6;
	[tilespmem:s2+$0xFFFFFFB0] =	vst v20;
	v20 =	vld.idx.msk [tilespmem:v25+s13+$0x0], $0xffff  }
0x54: {  	v24 =	vadd.s32 s19, v6;
	s2 =	sadd.s32 $0x200, s2;
	v25 =	vadd.s32 s26, v0;
	s26 =	smov.u32 s30;
	s30 =	smov.u32 s5;
	v17 =	vld.idx.msk [tilespmem:v17+s13+$0x0], $0xffff;
	[tilespmem:s23+$0xD0] =	vst v12  }
0x55: {  	v12 =	vld.idx.msk [tilespmem:v9+s13+$0x0], $0xffff;
	v9 =	vadd.s32 s31, v3;
	[tilespmem:s23+$0xFFFFFFF0] =	vst v10  }
0x56: {  	v10 =	vld.idx.msk [tilespmem:v18+s13+$0x0], $0xffff;
	v18 =	vadd.s32 s24, v0;
	[tilespmem:s23+$0x60] =	vst v11;
	s24 =	smov.u32 s28;
	s28 =	smov.u32 s4  }
0x57: {  	[tilespmem:s2+$0xFFFFFF00] =	vst v13;
	v11 =	vadd.s32 s24, v3;
	v13 =	vld.idx.msk [tilespmem:v16+s13+$0x0], $0xffff  }
0x58: {  	v16 =	vld.idx.msk [tilespmem:v19+s13+$0x0], $0xffff;
	[tilespmem:s23+$0xFFFFFF60] =	vst v14;
	v14 =	vadd.s32 s25, v0;
	s25 =	smov.u32 s31;
	s31 =	smov.u32 s19  }
0x59: {  	[tilespmem:s0+$0xB0] =	vst v20;
	v19 =	vld.idx.msk [tilespmem:v25+s13+$0x0], $0xffff  }
0x5a: {  	[tilespmem:s0+$0xFFFFFFC0] =	vst v17;
	v9 =	vld.idx.msk [tilespmem:v9+s13+$0x0], $0xffff  }
0x5b: {  	[tilespmem:s2+$0xFFFFFF80] =	vst v12;
	v12 =	vld.idx.msk [tilespmem:v18+s13+$0x0], $0xffff  }
0x5c: {  	v17 =	vadd.s32 s29, v2;
	[tilespmem:s2+$0x0] =	vst v10;
	v11 =	vld.idx.msk [tilespmem:v11+s13+$0x0], $0xffff  }
0x5d: {  	v20 =	vadd.s32 s26, v3;
	v18 =	vld.idx.msk [tilespmem:v23+s13+$0x0], $0xffff;
	[tilespmem:s23+$0xE0] =	vst v13  }
0x5e: {  	v10 =	vadd.s32 s29, v0;
	v13 =	vadd.s32 s28, v7;
	[tilespmem:s0+$0x30] =	vst v15;
	v14 =	vld.idx.msk [tilespmem:v14+s13+$0x0], $0xffff  }
0x5f: {  	v15 =	vld.idx.msk [tilespmem:v22+s13+$0x0], $0xffff;
	v22 =	vadd.s32 s24, v2;
	[tilespmem:s23+$0x70] =	vst v19  }
0x60: {  	[tilespmem:s2+$0xFFFFFF10] =	vst v16;
	v21 =	vld.idx.msk [tilespmem:v21+s13+$0x0], $0xffff  }
0x61: {  	v23 =	vadd.s32 s17, v7;
	v17 =	vld.idx.msk [tilespmem:v17+s13+$0x0], $0xffff;
	[tilespmem:s23+$0xFFFFFF70] =	vst v12  }
0x62: {  	v25 =	vadd.s32 s30, v7;
	[tilespmem:s0+$0xFFFFFF40] =	vst v11;
	v26 =	vld.idx.msk [tilespmem:v20+s13+$0x0], $0xffff  }
0x63: {  	v27 =	vadd.s32 s29, v1;
	s29 =	smov.u32 s17;
	v13 =	vld.idx.msk [tilespmem:v13+s13+$0x0], $0xffff;
	[tilespmem:s2+$0x80] =	vst v18  }
.Ltmp0:
0x64: {  	v19 =	vadd.s32 s26, v2;
	v11 =	vld.idx.msk [tilespmem:v22+s13+$0x0], $0xffff;
	[tilespmem:s23+$0xF0] =	vst v14;
	s23 =	smov.u32 s0;
	s0 =	smov.u32 s2;
	(pc) =	sbr.rel @p0 .LBB2_2-.Ltmp0, $4  }
0x65: {  	v16 =	vadd.s32 s28, v4;
	[tilespmem:s2+$0xFFFFFF90] =	vst v15;
	v18 =	vld.idx.msk [tilespmem:v24+s13+$0x0], $0xffff  }
0x66: {  	v12 =	vadd.s32 s25, v2;
	v14 =	vld.idx.msk [tilespmem:v23+s13+$0x0], $0xffff;
	[tilespmem:s2+$0x10] =	vst v21  }
0x67: {  	v21 =	vadd.s32 s31, v7;
	v15 =	vld.idx.msk [tilespmem:v25+s13+$0x0], $0xffff;
	[tilespmem:s23+$0xFFFFFFD0] =	vst v17  }
0x68: {  	v20 =	vadd.s32 s29, v4;
	v17 =	vld.idx.msk [tilespmem:v27+s13+$0x0], $0xffff;
	[tilespmem:s23+$0x40] =	vst v26  }
0x69: {  	_ =	sdelay $0x2  }
0x6a: {  	[tilespmem:s2+$0x90] =	vst v18  }
0x6b: {  	[tilespmem:s2+$0xFFFFFF20] =	vst v13;
	v13 =	vld.idx.msk [tilespmem:v21+s13+$0x0], $0xffff  }
0x6c: {  	[tilespmem:s23+$0xC0] =	vst v9;
	v9 =	vadd.s32 s31, v4  }
0x6d: {  	v18 =	vld.idx.msk [tilespmem:v19+s13+$0x0], $0xffff;
	[tilespmem:s2+$0xFFFFFFA0] =	vst v14  }
0x6e: {  	v14 =	vld.idx.msk [tilespmem:v20+s13+$0x0], $0xffff;
	[tilespmem:s2+$0x20] =	vst v15  }
0x6f: {  	[tilespmem:s23+$0xFFFFFF50] =	vst v11;
	v15 =	vadd.s32 s29, v3;
	v8 =	vld.idx.msk [tilespmem:v8+s13+$0x0], $0xffff  }
0x70: {  	v16 =	vld.idx.msk [tilespmem:v16+s13+$0x0], $0xffff;
	[tilespmem:s2+$0xA0] =	vst v13;
	v13 =	vadd.s32 s30, v3  }
0x71: {  	[tilespmem:s23+$0xFFFFFFE0] =	vst v17;
	v17 =	vadd.s32 s28, v3;
	v9 =	vld.idx.msk [tilespmem:v9+s13+$0x0], $0xffff  }
0x72: {  	v11 =	vadd.s32 s31, v3;
	v12 =	vld.idx.msk [tilespmem:v12+s13+$0x0], $0xffff;
	[tilespmem:s23+$0x50] =	vst v18  }
0x73: {  	v10 =	vld.idx.msk [tilespmem:v10+s13+$0x0], $0xffff;
	v18 =	vadd.s32 s26, v1;
	[tilespmem:s2+$0xFFFFFFB0] =	vst v14  }
0x74: {  	v14 =	vadd.s32 s24, v1;
	v15 =	vld.idx.msk [tilespmem:v15+s13+$0x0], $0xffff;
	[tilespmem:s0+$0x30] =	vst v8  }
0x75: {  	[tilespmem:s2+$0xFFFFFF30] =	vst v16;
	v8 =	vadd.s32 s29, v2;
	v13 =	vld.idx.msk [tilespmem:v13+s13+$0x0], $0xffff  }
0x76: {  	v16 =	vadd.s32 s30, v2;
	[tilespmem:s0+$0xB0] =	vst v9;
	v9 =	vld.idx.msk [tilespmem:v17+s13+$0x0], $0xffff  }
0x77: {  	[tilespmem:s23+$0xD0] =	vst v12;
	v12 =	vadd.s32 s28, v2;
	v11 =	vld.idx.msk [tilespmem:v11+s13+$0x0], $0xffff  }
0x78: {  	[tilespmem:s23+$0xFFFFFFF0] =	vst v10;
	v10 =	vadd.s32 s31, v2;
	v17 =	vld.idx.msk [tilespmem:v18+s13+$0x0], $0xffff  }
0x79: {  	v18 =	vadd.s32 s25, v1;
	v14 =	vld.idx.msk [tilespmem:v14+s13+$0x0], $0xffff;
	[tilespmem:s0+$0xFFFFFFC0] =	vst v15  }
0x7a: {  	v15 =	vadd.s32 s26, v0;
	v8 =	vld.idx.msk [tilespmem:v8+s13+$0x0], $0xffff;
	[tilespmem:s0+$0x40] =	vst v13  }
0x7b: {  	[tilespmem:s0+$0xFFFFFF40] =	vst v9;
	v9 =	vadd.s32 s29, v1;
	v13 =	vld.idx.msk [tilespmem:v16+s13+$0x0], $0xffff  }
0x7c: {  	v16 =	vadd.s32 s30, v1;
	v12 =	vld.idx.msk [tilespmem:v12+s13+$0x0], $0xffff;
	[tilespmem:s0+$0xC0] =	vst v11  }
0x7d: {  	[tilespmem:s23+$0x60] =	vst v17;
	v11 =	vadd.s32 s28, v1;
	v10 =	vld.idx.msk [tilespmem:v10+s13+$0x0], $0xffff  }
0x7e: {  	v17 =	vld.idx.msk [tilespmem:v18+s13+$0x0], $0xffff;
	[tilespmem:s23+$0xFFFFFF60] =	vst v14;
	v14 =	vadd.s32 s31, v1  }
0x7f: {  	v18 =	vadd.s32 s24, v0;
	v15 =	vld.idx.msk [tilespmem:v15+s13+$0x0], $0xffff;
	[tilespmem:s0+$0xFFFFFFD0] =	vst v8  }
0x80: {  	v8 =	vadd.s32 s25, v0;
	v9 =	vld.idx.msk [tilespmem:v9+s13+$0x0], $0xffff;
	[tilespmem:s0+$0x50] =	vst v13  }
0x81: {  	v13 =	vadd.s32 s29, v0;
	[tilespmem:s0+$0xFFFFFF50] =	vst v12;
	v12 =	vld.idx.msk [tilespmem:v16+s13+$0x0], $0xffff  }
0x82: {  	v16 =	vadd.s32 s30, v0;
	v11 =	vld.idx.msk [tilespmem:v11+s13+$0x0], $0xffff;
	[tilespmem:s0+$0xD0] =	vst v10  }
0x83: {  	[tilespmem:s23+$0xE0] =	vst v17;
	v10 =	vadd.s32 s28, v0;
	v14 =	vld.idx.msk [tilespmem:v14+s13+$0x0], $0xffff  }
0x84: {  	v17 =	vld.idx.msk [tilespmem:v18+s13+$0x0], $0xffff;
	[tilespmem:s23+$0x70] =	vst v15;
	v15 =	vadd.s32 s31, v0  }
0x85: {  	v8 =	vld.idx.msk [tilespmem:v8+s13+$0x0], $0xffff;
	[tilespmem:s0+$0xFFFFFFE0] =	vst v9  }
0x86: {  	v9 =	vld.idx.msk [tilespmem:v13+s13+$0x0], $0xffff;
	[tilespmem:s0+$0x60] =	vst v12  }
0x87: {  	[tilespmem:s0+$0xFFFFFF60] =	vst v11;
	v11 =	vld.idx.msk [tilespmem:v16+s13+$0x0], $0xffff  }
0x88: {  	v10 =	vld.idx.msk [tilespmem:v10+s13+$0x0], $0xffff;
	[tilespmem:s0+$0xE0] =	vst v14  }
0x89: {  	[tilespmem:s23+$0xFFFFFF70] =	vst v17;
	v12 =	vld.idx.msk [tilespmem:v15+s13+$0x0], $0xffff  }
0x8a: {  	[tilespmem:s23+$0xF0] =	vst v8  }
0x8b: {  	[tilespmem:s0+$0xFFFFFFF0] =	vst v9  }
0x8c: {  	[tilespmem:s0+$0x70] =	vst v11  }
0x8d: {  	[tilespmem:s0+$0xFFFFFF70] =	vst v10  }
0x8e: {  	s1 =	simm.s32 $0x0;
	s19 =	simm.s32 $0x80;
	[tilespmem:s0+$0xF0] =	vst v12  }
0x8f: {  	[tilespmem:s13], [sflag:$0x1] =	stream.linear.gather [hbm4b:s6+s1], $0x4000, $0x38;
	[tilespmem:$0x10080] =	vst v63  }
0x90: {  	s26 =	simm.s32 $0x8080;
	s24 =	simm.s32 $0x0;
	v8 =	vadd.s32 s19, v5  }
0x91: {  	[hbm4b:s7+s1] =	stream.linear.scatter [tilespmem:s26], [sflag:$0x3], $0x4000, $0x38;
	[tilespmem:$0x10080] =	vst v63  }
0x92: {  	v9 =	vadd.s32 s24, v5;
	_ =	swait.ge [sflag:s18], $0x4000  }
0x93: {  	s25 =	simm.s32 $0x180;
	[sflag:s18] =	ssyncset.done $0x0  }
0x94: {  	v10 =	vadd.s32 s25, v5;
	s26 =	simm.s32 $0x100;
	[sflag:s18] =	ssyncadd.s32 $0xFFFFC000  }
0x95: {  	v11 =	vadd.s32 s26, v5;
	v8 =	vld.idx.msk [tilespmem:v8+s14+$0x0], $0xffff  }
0x96: {  	v12 =	vadd.s32 s19, v6  }
0x97: {  	v9 =	vld.idx.msk [tilespmem:v9+s14+$0x0], $0xffff  }
0x98: {  	v13 =	vadd.s32 s24, v6  }
0x99: {  	s23 =	simm.s32 $0xC180;
	v10 =	vld.idx.msk [tilespmem:v10+s14+$0x0], $0xffff  }
0x9a: {  	v14 =	vadd.s32 s25, v6;
	v11 =	vld.idx.msk [tilespmem:v11+s14+$0x0], $0xffff;
	[tilespmem:s23+$0xFFFFFF80] =	vst v8  }
0x9b: {  	v8 =	vadd.s32 s26, v6;
	v12 =	vld.idx.msk [tilespmem:v12+s14+$0x0], $0xffff  }
0x9c: {  	[tilespmem:s23+$0xFFFFFF00] =	vst v9;
	v9 =	vadd.s32 s19, v7  }
0x9d: {  	v13 =	vld.idx.msk [tilespmem:v13+s14+$0x0], $0xffff  }
0x9e: {  	s29 =	simm.s32 $0x280;
	v15 =	vadd.s32 s24, v7;
	[tilespmem:s23+$0x80] =	vst v10  }
0x9f: {  	v16 =	vadd.s32 s29, v5;
	v10 =	vld.idx.msk [tilespmem:v14+s14+$0x0], $0xffff;
	[tilespmem:s23+$0x0] =	vst v11  }
0xa0: {  	v11 =	vadd.s32 s25, v7;
	v8 =	vld.idx.msk [tilespmem:v8+s14+$0x0], $0xffff;
	[tilespmem:s23+$0xFFFFFF90] =	vst v12  }
0xa1: {  	v12 =	vadd.s32 s26, v7;
	v9 =	vld.idx.msk [tilespmem:v9+s14+$0x0], $0xffff  }
0xa2: {  	s30 =	simm.s32 $0x300;
	[tilespmem:s23+$0xFFFFFF10] =	vst v13;
	v13 =	vadd.s32 s19, v4  }
0xa3: {  	v17 =	vadd.s32 s30, v5;
	v14 =	vld.idx.msk [tilespmem:v15+s14+$0x0], $0xffff  }
0xa4: {  	s28 =	simm.s32 $0x200;
	v16 =	vld.idx.msk [tilespmem:v16+s14+$0x0], $0xffff;
	[tilespmem:s23+$0x90] =	vst v10;
	v15 =	vadd.s32 s24, v4  }
0xa5: {  	v10 =	vld.idx.msk [tilespmem:v11+s14+$0x0], $0xffff;
	[tilespmem:s23+$0x10] =	vst v8;
	v8 =	vadd.s32 s28, v5  }
0xa6: {  	v11 =	vld.idx.msk [tilespmem:v12+s14+$0x0], $0xffff;
	[tilespmem:s23+$0xFFFFFFA0] =	vst v9;
	v9 =	vadd.s32 s25, v4  }
0xa7: {  	v12 =	vadd.s32 s26, v4;
	v13 =	vld.idx.msk [tilespmem:v13+s14+$0x0], $0xffff  }
0xa8: {  	v17 =	vld.idx.msk [tilespmem:v17+s14+$0x0], $0xffff;
	[tilespmem:s23+$0xFFFFFF20] =	vst v14;
	v14 =	vadd.s32 s19, v3  }
0xa9: {  	s31 =	simm.s32 $0x380;
	v15 =	vld.idx.msk [tilespmem:v15+s14+$0x0], $0xffff  }
0xaa: {  	v18 =	vadd.s32 s31, v5;
	[tilespmem:s23+$0xA0] =	vst v10;
	v8 =	vld.idx.msk [tilespmem:v8+s14+$0x0], $0xffff  }
0xab: {  	v10 =	vadd.s32 s28, v6;
	[tilespmem:s23+$0x20] =	vst v11;
	v9 =	vld.idx.msk [tilespmem:v9+s14+$0x0], $0xffff  }
0xac: {  	s2 =	simm.s32 $0xC380;
	v11 =	vld.idx.msk [tilespmem:v12+s14+$0x0], $0xffff;
	v12 =	vadd.s32 s25, v3;
	[tilespmem:s23+$0xFFFFFFB0] =	vst v13  }
0xad: {  	[tilespmem:s2+$0xFFFFFF80] =	vst v16;
	v13 =	vld.idx.msk [tilespmem:v14+s14+$0x0], $0xffff;
	v14 =	vadd.s32 s24, v3  }
0xae: {  	v19 =	vadd.s32 s29, v6;
	[tilespmem:s23+$0xFFFFFF30] =	vst v15  }
0xaf: {  	v16 =	vld.idx.msk [tilespmem:v18+s14+$0x0], $0xffff;
	v15 =	vadd.s32 s26, v3;
	[tilespmem:s2+$0xFFFFFF00] =	vst v8  }
0xb0: {  	v8 =	vadd.s32 s30, v6;
	v10 =	vld.idx.msk [tilespmem:v10+s14+$0x0], $0xffff;
	[tilespmem:s23+$0xB0] =	vst v9  }
0xb1: {  	v9 =	vld.idx.msk [tilespmem:v12+s14+$0x0], $0xffff;
	v12 =	vadd.s32 s19, v2  }
0xb2: {  	v18 =	vadd.s32 s28, v7;
	[tilespmem:s2+$0x0] =	vst v17;
	v14 =	vld.idx.msk [tilespmem:v14+s14+$0x0], $0xffff  }
0xb3: {  	v17 =	vld.idx.msk [tilespmem:v19+s14+$0x0], $0xffff;
	v19 =	vadd.s32 s24, v2;
	[tilespmem:s23+$0x30] =	vst v11  }
0xb4: {  	v20 =	vadd.s32 s31, v6;
	v25 =	vld.idx.msk [tilespmem:v15+s14+$0x0], $0xffff  }
0xb5: {  	v22 =	vadd.s32 s29, v7;
	[tilespmem:s23+$0xFFFFFFC0] =	vst v13;
	v21 =	vld.idx.msk [tilespmem:v8+s14+$0x0], $0xffff  }
0xb6: {  	v24 =	vadd.s32 s30, v7;
	[tilespmem:s2+$0xFFFFFF10] =	vst v10;
	v23 =	vld.idx.msk [tilespmem:v12+s14+$0x0], $0xffff  }
0xb7: {  	v26 =	vadd.s32 s19, v1;
	v13 =	vld.idx.msk [tilespmem:v18+s14+$0x0], $0xffff;
	[tilespmem:s23+$0xFFFFFF40] =	vst v14  }
0xb8: {  	[tilespmem:s2+$0x80] =	vst v16;
	v11 =	vld.idx.msk [tilespmem:v19+s14+$0x0], $0xffff;
	v19 =	vadd.s32 s26, v2  }
0xb9: {  	v16 =	vadd.s32 s28, v4;
	[tilespmem:s2+$0xFFFFFF90] =	vst v17;
	v18 =	vld.idx.msk [tilespmem:v20+s14+$0x0], $0xffff  }
0xba: {  	v12 =	vadd.s32 s25, v2;
	v14 =	vld.idx.msk [tilespmem:v22+s14+$0x0], $0xffff;
	[tilespmem:s2+$0x10] =	vst v21  }
0xbb: {  	v8 =	vadd.s32 s30, v4;
	v21 =	vadd.s32 s31, v7;
	v15 =	vld.idx.msk [tilespmem:v24+s14+$0x0], $0xffff;
	[tilespmem:s23+$0xFFFFFFD0] =	vst v23  }
0xbc: {  	s0 =	simm.s32 $0xC380;
	s1 =	simm.s32 $0x8;
	v10 =	vadd.s32 s19, v0;
	v20 =	vadd.s32 s29, v4;
	[tilespmem:s23+$0x40] =	vst v25;
	v17 =	vld.idx.msk [tilespmem:v26+s14+$0x0], $0xffff  }
.LBB2_4:
0xbd: {  	s4 =	sshll.u32 s1, $0x7;
	p0 =	slt.u32 s1, $0x7C;
	s1 =	sadd.s32 $0x4, s1;
	[tilespmem:s2+$0xFFFFFF20] =	vst v13;
	v13 =	vld.idx.msk [tilespmem:v19+s14+$0x0], $0xffff  }
0xbe: {  	v22 =	vadd.s32 s26, v1;
	v19 =	vadd.s32 s4, v5;
	s17 =	sadd.s32 $0x80, s4;
	s19 =	sadd.s32 $0x180, s4;
	v16 =	vld.idx.msk [tilespmem:v16+s14+$0x0], $0xffff;
	[tilespmem:s23+$0xC0] =	vst v9  }
0xbf: {  	s5 =	sadd.s32 $0x100, s4;
	v9 =	vadd.s32 s17, v5;
	v23 =	vadd.s32 s19, v5;
	[tilespmem:s2+$0x90] =	vst v18;
	v12 =	vld.idx.msk [tilespmem:v12+s14+$0x0], $0xffff  }
0xc0: {  	v18 =	vadd.s32 s5, v5;
	v24 =	vadd.s32 s5, v4;
	[tilespmem:s2+$0xFFFFFFA0] =	vst v14;
	v14 =	vld.idx.msk [tilespmem:v21+s14+$0x0], $0xffff;
	v21 =	vadd.s32 s24, v1  }
0xc1: {  	v20 =	vld.idx.msk [tilespmem:v20+s14+$0x0], $0xffff;
	[tilespmem:s2+$0x20] =	vst v15  }
0xc2: {  	v25 =	vadd.s32 s31, v4;
	v15 =	vld.idx.msk [tilespmem:v8+s14+$0x0], $0xffff;
	[tilespmem:s23+$0xFFFFFFE0] =	vst v17;
	v8 =	vmov v24  }
0xc3: {  	v17 =	vadd.s32 s29, v3;
	v10 =	vld.idx.msk [tilespmem:v10+s14+$0x0], $0xffff;
	[tilespmem:s23+$0x50] =	vst v13  }
0xc4: {  	[tilespmem:s23+$0xFFFFFF50] =	vst v11;
	v11 =	vld.idx.msk [tilespmem:v22+s14+$0x0], $0xffff  }
0xc5: {  	v13 =	vld.idx.msk [tilespmem:v19+s14+$0x0], $0xffff;
	v19 =	vadd.s32 s4, v6;
	[tilespmem:s2+$0xFFFFFF30] =	vst v16;
	v16 =	vadd.s32 s25, v1  }
0xc6: {  	v22 =	vadd.s32 s17, v6;
	[tilespmem:s2+$0xA0] =	vst v14;
	v14 =	vld.idx.msk [tilespmem:v21+s14+$0x0], $0xffff  }
0xc7: {  	v21 =	vadd.s32 s5, v6;
	[tilespmem:s2+$0xFFFFFFB0] =	vst v20;
	v20 =	vld.idx.msk [tilespmem:v25+s14+$0x0], $0xffff  }
0xc8: {  	v24 =	vadd.s32 s19, v6;
	s2 =	sadd.s32 $0x200, s2;
	v25 =	vadd.s32 s26, v0;
	s26 =	smov.u32 s30;
	s30 =	smov.u32 s5;
	v17 =	vld.idx.msk [tilespmem:v17+s14+$0x0], $0xffff;
	[tilespmem:s23+$0xD0] =	vst v12  }
0xc9: {  	v12 =	vld.idx.msk [tilespmem:v9+s14+$0x0], $0xffff;
	v9 =	vadd.s32 s31, v3;
	[tilespmem:s23+$0xFFFFFFF0] =	vst v10  }
0xca: {  	v10 =	vld.idx.msk [tilespmem:v18+s14+$0x0], $0xffff;
	v18 =	vadd.s32 s24, v0;
	[tilespmem:s23+$0x60] =	vst v11;
	s24 =	smov.u32 s28;
	s28 =	smov.u32 s4  }
0xcb: {  	[tilespmem:s2+$0xFFFFFF00] =	vst v13;
	v11 =	vadd.s32 s24, v3;
	v13 =	vld.idx.msk [tilespmem:v16+s14+$0x0], $0xffff  }
0xcc: {  	v16 =	vld.idx.msk [tilespmem:v19+s14+$0x0], $0xffff;
	[tilespmem:s23+$0xFFFFFF60] =	vst v14;
	v14 =	vadd.s32 s25, v0;
	s25 =	smov.u32 s31;
	s31 =	smov.u32 s19  }
0xcd: {  	[tilespmem:s0+$0xB0] =	vst v20;
	v19 =	vld.idx.msk [tilespmem:v25+s14+$0x0], $0xffff  }
0xce: {  	[tilespmem:s0+$0xFFFFFFC0] =	vst v17;
	v9 =	vld.idx.msk [tilespmem:v9+s14+$0x0], $0xffff  }
0xcf: {  	[tilespmem:s2+$0xFFFFFF80] =	vst v12;
	v12 =	vld.idx.msk [tilespmem:v18+s14+$0x0], $0xffff  }
0xd0: {  	v17 =	vadd.s32 s29, v2;
	[tilespmem:s2+$0x0] =	vst v10;
	v11 =	vld.idx.msk [tilespmem:v11+s14+$0x0], $0xffff  }
0xd1: {  	v20 =	vadd.s32 s26, v3;
	v18 =	vld.idx.msk [tilespmem:v23+s14+$0x0], $0xffff;
	[tilespmem:s23+$0xE0] =	vst v13  }
0xd2: {  	v10 =	vadd.s32 s29, v0;
	v13 =	vadd.s32 s28, v7;
	[tilespmem:s0+$0x30] =	vst v15;
	v14 =	vld.idx.msk [tilespmem:v14+s14+$0x0], $0xffff  }
0xd3: {  	v15 =	vld.idx.msk [tilespmem:v22+s14+$0x0], $0xffff;
	v22 =	vadd.s32 s24, v2;
	[tilespmem:s23+$0x70] =	vst v19  }
0xd4: {  	[tilespmem:s2+$0xFFFFFF10] =	vst v16;
	v21 =	vld.idx.msk [tilespmem:v21+s14+$0x0], $0xffff  }
0xd5: {  	v23 =	vadd.s32 s17, v7;
	v17 =	vld.idx.msk [tilespmem:v17+s14+$0x0], $0xffff;
	[tilespmem:s23+$0xFFFFFF70] =	vst v12  }
0xd6: {  	v25 =	vadd.s32 s30, v7;
	[tilespmem:s0+$0xFFFFFF40] =	vst v11;
	v26 =	vld.idx.msk [tilespmem:v20+s14+$0x0], $0xffff  }
0xd7: {  	v27 =	vadd.s32 s29, v1;
	s29 =	smov.u32 s17;
	v13 =	vld.idx.msk [tilespmem:v13+s14+$0x0], $0xffff;
	[tilespmem:s2+$0x80] =	vst v18  }
.Ltmp1:
0xd8: {  	v19 =	vadd.s32 s26, v2;
	v11 =	vld.idx.msk [tilespmem:v22+s14+$0x0], $0xffff;
	[tilespmem:s23+$0xF0] =	vst v14;
	s23 =	smov.u32 s0;
	s0 =	smov.u32 s2;
	(pc) =	sbr.rel @p0 .LBB2_4-.Ltmp1, $4  }
0xd9: {  	v16 =	vadd.s32 s28, v4;
	[tilespmem:s2+$0xFFFFFF90] =	vst v15;
	v18 =	vld.idx.msk [tilespmem:v24+s14+$0x0], $0xffff  }
0xda: {  	v12 =	vadd.s32 s25, v2;
	v14 =	vld.idx.msk [tilespmem:v23+s14+$0x0], $0xffff;
	[tilespmem:s2+$0x10] =	vst v21  }
0xdb: {  	v21 =	vadd.s32 s31, v7;
	v15 =	vld.idx.msk [tilespmem:v25+s14+$0x0], $0xffff;
	[tilespmem:s23+$0xFFFFFFD0] =	vst v17  }
0xdc: {  	v20 =	vadd.s32 s29, v4;
	v17 =	vld.idx.msk [tilespmem:v27+s14+$0x0], $0xffff;
	[tilespmem:s23+$0x40] =	vst v26  }
0xdd: {  	_ =	sdelay $0x2  }
0xde: {  	[tilespmem:s2+$0x90] =	vst v18  }
0xdf: {  	[tilespmem:s2+$0xFFFFFF20] =	vst v13;
	v13 =	vld.idx.msk [tilespmem:v21+s14+$0x0], $0xffff  }
0xe0: {  	[tilespmem:s23+$0xC0] =	vst v9;
	v9 =	vadd.s32 s31, v4  }
0xe1: {  	v18 =	vld.idx.msk [tilespmem:v19+s14+$0x0], $0xffff;
	[tilespmem:s2+$0xFFFFFFA0] =	vst v14  }
0xe2: {  	v14 =	vld.idx.msk [tilespmem:v20+s14+$0x0], $0xffff;
	[tilespmem:s2+$0x20] =	vst v15  }
0xe3: {  	[tilespmem:s23+$0xFFFFFF50] =	vst v11;
	v15 =	vadd.s32 s29, v3;
	v8 =	vld.idx.msk [tilespmem:v8+s14+$0x0], $0xffff  }
0xe4: {  	v16 =	vld.idx.msk [tilespmem:v16+s14+$0x0], $0xffff;
	[tilespmem:s2+$0xA0] =	vst v13;
	v13 =	vadd.s32 s30, v3  }
0xe5: {  	[tilespmem:s23+$0xFFFFFFE0] =	vst v17;
	v17 =	vadd.s32 s28, v3;
	v9 =	vld.idx.msk [tilespmem:v9+s14+$0x0], $0xffff  }
0xe6: {  	v11 =	vadd.s32 s31, v3;
	v12 =	vld.idx.msk [tilespmem:v12+s14+$0x0], $0xffff;
	[tilespmem:s23+$0x50] =	vst v18  }
0xe7: {  	v10 =	vld.idx.msk [tilespmem:v10+s14+$0x0], $0xffff;
	v18 =	vadd.s32 s26, v1;
	[tilespmem:s2+$0xFFFFFFB0] =	vst v14  }
0xe8: {  	v14 =	vadd.s32 s24, v1;
	v15 =	vld.idx.msk [tilespmem:v15+s14+$0x0], $0xffff;
	[tilespmem:s0+$0x30] =	vst v8  }
0xe9: {  	[tilespmem:s2+$0xFFFFFF30] =	vst v16;
	v8 =	vadd.s32 s29, v2;
	v13 =	vld.idx.msk [tilespmem:v13+s14+$0x0], $0xffff  }
0xea: {  	v16 =	vadd.s32 s30, v2;
	[tilespmem:s0+$0xB0] =	vst v9;
	v9 =	vld.idx.msk [tilespmem:v17+s14+$0x0], $0xffff  }
0xeb: {  	[tilespmem:s23+$0xD0] =	vst v12;
	v12 =	vadd.s32 s28, v2;
	v11 =	vld.idx.msk [tilespmem:v11+s14+$0x0], $0xffff  }
0xec: {  	[tilespmem:s23+$0xFFFFFFF0] =	vst v10;
	v10 =	vadd.s32 s31, v2;
	v17 =	vld.idx.msk [tilespmem:v18+s14+$0x0], $0xffff  }
0xed: {  	v18 =	vadd.s32 s25, v1;
	v14 =	vld.idx.msk [tilespmem:v14+s14+$0x0], $0xffff;
	[tilespmem:s0+$0xFFFFFFC0] =	vst v15  }
0xee: {  	v15 =	vadd.s32 s26, v0;
	v8 =	vld.idx.msk [tilespmem:v8+s14+$0x0], $0xffff;
	[tilespmem:s0+$0x40] =	vst v13  }
0xef: {  	[tilespmem:s0+$0xFFFFFF40] =	vst v9;
	v9 =	vadd.s32 s29, v1;
	v13 =	vld.idx.msk [tilespmem:v16+s14+$0x0], $0xffff  }
0xf0: {  	v16 =	vadd.s32 s30, v1;
	v12 =	vld.idx.msk [tilespmem:v12+s14+$0x0], $0xffff;
	[tilespmem:s0+$0xC0] =	vst v11  }
0xf1: {  	[tilespmem:s23+$0x60] =	vst v17;
	v11 =	vadd.s32 s28, v1;
	v10 =	vld.idx.msk [tilespmem:v10+s14+$0x0], $0xffff  }
0xf2: {  	v17 =	vld.idx.msk [tilespmem:v18+s14+$0x0], $0xffff;
	[tilespmem:s23+$0xFFFFFF60] =	vst v14;
	v14 =	vadd.s32 s31, v1  }
0xf3: {  	v18 =	vadd.s32 s24, v0;
	v15 =	vld.idx.msk [tilespmem:v15+s14+$0x0], $0xffff;
	[tilespmem:s0+$0xFFFFFFD0] =	vst v8  }
0xf4: {  	v8 =	vadd.s32 s25, v0;
	v9 =	vld.idx.msk [tilespmem:v9+s14+$0x0], $0xffff;
	[tilespmem:s0+$0x50] =	vst v13  }
0xf5: {  	v13 =	vadd.s32 s29, v0;
	[tilespmem:s0+$0xFFFFFF50] =	vst v12;
	v12 =	vld.idx.msk [tilespmem:v16+s14+$0x0], $0xffff  }
0xf6: {  	v16 =	vadd.s32 s30, v0;
	v11 =	vld.idx.msk [tilespmem:v11+s14+$0x0], $0xffff;
	[tilespmem:s0+$0xD0] =	vst v10  }
0xf7: {  	[tilespmem:s23+$0xE0] =	vst v17;
	v10 =	vadd.s32 s28, v0;
	v14 =	vld.idx.msk [tilespmem:v14+s14+$0x0], $0xffff  }
0xf8: {  	v17 =	vld.idx.msk [tilespmem:v18+s14+$0x0], $0xffff;
	[tilespmem:s23+$0x70] =	vst v15;
	v15 =	vadd.s32 s31, v0  }
0xf9: {  	v8 =	vld.idx.msk [tilespmem:v8+s14+$0x0], $0xffff;
	[tilespmem:s0+$0xFFFFFFE0] =	vst v9  }
0xfa: {  	v9 =	vld.idx.msk [tilespmem:v13+s14+$0x0], $0xffff;
	[tilespmem:s0+$0x60] =	vst v12  }
0xfb: {  	[tilespmem:s0+$0xFFFFFF60] =	vst v11;
	v11 =	vld.idx.msk [tilespmem:v16+s14+$0x0], $0xffff  }
0xfc: {  	v10 =	vld.idx.msk [tilespmem:v10+s14+$0x0], $0xffff;
	[tilespmem:s0+$0xE0] =	vst v14  }
0xfd: {  	[tilespmem:s23+$0xFFFFFF70] =	vst v17;
	v12 =	vld.idx.msk [tilespmem:v15+s14+$0x0], $0xffff  }
0xfe: {  	[tilespmem:s23+$0xF0] =	vst v8  }
0xff: {  	[tilespmem:s0+$0xFFFFFFF0] =	vst v9  }
0x100: {  	[tilespmem:s0+$0x70] =	vst v11  }
0x101: {  	[tilespmem:s0+$0xFFFFFF70] =	vst v10  }
0x102: {  	s17 =	simm.s32 $0x0;
	[tilespmem:s0+$0xF0] =	vst v12  }
0x103: {  	[tilespmem:s14], [sflag:$0x2] =	stream.linear.gather [hbm4b:s8+s17], $0x4000, $0x38;
	[tilespmem:$0x10080] =	vst v63  }
0x104: {  	s1 =	simm.s32 $0xC080  }
0x105: {  	[hbm4b:s9+s17] =	stream.linear.scatter [tilespmem:s1], [sflag:$0x4], $0x4000, $0x38;
	[tilespmem:$0x10080] =	vst v63  }
0x106: {  	s19 =	simm.s32 $0x80;
	_ =	swait.ge [sflag:s16], $0x4000  }
0x107: {  	v8 =	vadd.s32 s19, v5;
	[sflag:s16] =	ssyncset.done $0x0  }
0x108: {  	s24 =	simm.s32 $0x0;
	[sflag:s16] =	ssyncadd.s32 $0xFFFFC000  }
0x109: {  	v9 =	vadd.s32 s24, v5;
	_ =	swait.ge [sflag:s20], $0x4000  }
0x10a: {  	s25 =	simm.s32 $0x180;
	[sflag:s20] =	ssyncset.done $0x0  }
0x10b: {  	s26 =	simm.s32 $0x100;
	v10 =	vadd.s32 s25, v5;
	[sflag:s20] =	ssyncadd.s32 $0xFFFFC000  }
0x10c: {  	v11 =	vadd.s32 s26, v5;
	v8 =	vld.idx.msk [tilespmem:v8+s13+$0x0], $0xffff  }
0x10d: {  	v12 =	vadd.s32 s19, v6  }
0x10e: {  	v9 =	vld.idx.msk [tilespmem:v9+s13+$0x0], $0xffff  }
0x10f: {  	v13 =	vadd.s32 s24, v6  }
0x110: {  	s23 =	simm.s32 $0x8180;
	v10 =	vld.idx.msk [tilespmem:v10+s13+$0x0], $0xffff  }
0x111: {  	v14 =	vadd.s32 s25, v6;
	v11 =	vld.idx.msk [tilespmem:v11+s13+$0x0], $0xffff;
	[tilespmem:s23+$0xFFFFFF80] =	vst v8  }
0x112: {  	v8 =	vadd.s32 s26, v6;
	v12 =	vld.idx.msk [tilespmem:v12+s13+$0x0], $0xffff  }
0x113: {  	[tilespmem:s23+$0xFFFFFF00] =	vst v9;
	v9 =	vadd.s32 s19, v7  }
0x114: {  	v13 =	vld.idx.msk [tilespmem:v13+s13+$0x0], $0xffff  }
0x115: {  	s29 =	simm.s32 $0x280;
	v15 =	vadd.s32 s24, v7;
	[tilespmem:s23+$0x80] =	vst v10  }
0x116: {  	v16 =	vadd.s32 s29, v5;
	[tilespmem:s23+$0x0] =	vst v11;
	v10 =	vld.idx.msk [tilespmem:v14+s13+$0x0], $0xffff  }
0x117: {  	v11 =	vadd.s32 s25, v7;
	v8 =	vld.idx.msk [tilespmem:v8+s13+$0x0], $0xffff;
	[tilespmem:s23+$0xFFFFFF90] =	vst v12  }
0x118: {  	v12 =	vadd.s32 s26, v7;
	v9 =	vld.idx.msk [tilespmem:v9+s13+$0x0], $0xffff  }
0x119: {  	s30 =	simm.s32 $0x300;
	[tilespmem:s23+$0xFFFFFF10] =	vst v13;
	v13 =	vadd.s32 s19, v4  }
0x11a: {  	v17 =	vadd.s32 s30, v5;
	v14 =	vld.idx.msk [tilespmem:v15+s13+$0x0], $0xffff  }
0x11b: {  	s28 =	simm.s32 $0x200;
	v16 =	vld.idx.msk [tilespmem:v16+s13+$0x0], $0xffff;
	[tilespmem:s23+$0x90] =	vst v10;
	v15 =	vadd.s32 s24, v4  }
0x11c: {  	v10 =	vld.idx.msk [tilespmem:v11+s13+$0x0], $0xffff;
	[tilespmem:s23+$0x10] =	vst v8;
	v8 =	vadd.s32 s28, v5  }
0x11d: {  	v11 =	vld.idx.msk [tilespmem:v12+s13+$0x0], $0xffff;
	[tilespmem:s23+$0xFFFFFFA0] =	vst v9;
	v9 =	vadd.s32 s25, v4  }
0x11e: {  	v12 =	vadd.s32 s26, v4;
	v13 =	vld.idx.msk [tilespmem:v13+s13+$0x0], $0xffff  }
0x11f: {  	v17 =	vld.idx.msk [tilespmem:v17+s13+$0x0], $0xffff;
	[tilespmem:s23+$0xFFFFFF20] =	vst v14;
	v14 =	vadd.s32 s19, v3  }
0x120: {  	s31 =	simm.s32 $0x380;
	v15 =	vld.idx.msk [tilespmem:v15+s13+$0x0], $0xffff  }
0x121: {  	v18 =	vadd.s32 s31, v5;
	[tilespmem:s23+$0xA0] =	vst v10;
	v8 =	vld.idx.msk [tilespmem:v8+s13+$0x0], $0xffff  }
0x122: {  	v10 =	vadd.s32 s28, v6;
	[tilespmem:s23+$0x20] =	vst v11;
	v9 =	vld.idx.msk [tilespmem:v9+s13+$0x0], $0xffff  }
0x123: {  	s2 =	simm.s32 $0x8380;
	v11 =	vld.idx.msk [tilespmem:v12+s13+$0x0], $0xffff;
	v12 =	vadd.s32 s25, v3;
	[tilespmem:s23+$0xFFFFFFB0] =	vst v13  }
0x124: {  	[tilespmem:s2+$0xFFFFFF80] =	vst v16;
	v13 =	vld.idx.msk [tilespmem:v14+s13+$0x0], $0xffff;
	v14 =	vadd.s32 s24, v3  }
0x125: {  	v19 =	vadd.s32 s29, v6;
	[tilespmem:s23+$0xFFFFFF30] =	vst v15  }
0x126: {  	v16 =	vld.idx.msk [tilespmem:v18+s13+$0x0], $0xffff;
	v15 =	vadd.s32 s26, v3;
	[tilespmem:s2+$0xFFFFFF00] =	vst v8  }
0x127: {  	v8 =	vadd.s32 s30, v6;
	v10 =	vld.idx.msk [tilespmem:v10+s13+$0x0], $0xffff;
	[tilespmem:s23+$0xB0] =	vst v9  }
0x128: {  	v9 =	vld.idx.msk [tilespmem:v12+s13+$0x0], $0xffff;
	v12 =	vadd.s32 s19, v2  }
0x129: {  	v18 =	vadd.s32 s28, v7;
	[tilespmem:s2+$0x0] =	vst v17;
	v14 =	vld.idx.msk [tilespmem:v14+s13+$0x0], $0xffff  }
0x12a: {  	v17 =	vld.idx.msk [tilespmem:v19+s13+$0x0], $0xffff;
	v19 =	vadd.s32 s24, v2;
	[tilespmem:s23+$0x30] =	vst v11  }
0x12b: {  	v20 =	vadd.s32 s31, v6;
	v25 =	vld.idx.msk [tilespmem:v15+s13+$0x0], $0xffff  }
0x12c: {  	v22 =	vadd.s32 s29, v7;
	[tilespmem:s23+$0xFFFFFFC0] =	vst v13;
	v21 =	vld.idx.msk [tilespmem:v8+s13+$0x0], $0xffff  }
0x12d: {  	v24 =	vadd.s32 s30, v7;
	[tilespmem:s2+$0xFFFFFF10] =	vst v10;
	v23 =	vld.idx.msk [tilespmem:v12+s13+$0x0], $0xffff  }
0x12e: {  	v26 =	vadd.s32 s19, v1;
	v13 =	vld.idx.msk [tilespmem:v18+s13+$0x0], $0xffff;
	[tilespmem:s23+$0xFFFFFF40] =	vst v14  }
0x12f: {  	[tilespmem:s2+$0x80] =	vst v16;
	v11 =	vld.idx.msk [tilespmem:v19+s13+$0x0], $0xffff;
	v19 =	vadd.s32 s26, v2  }
0x130: {  	v16 =	vadd.s32 s28, v4;
	[tilespmem:s2+$0xFFFFFF90] =	vst v17;
	v18 =	vld.idx.msk [tilespmem:v20+s13+$0x0], $0xffff  }
0x131: {  	v12 =	vadd.s32 s25, v2;
	v14 =	vld.idx.msk [tilespmem:v22+s13+$0x0], $0xffff;
	[tilespmem:s2+$0x10] =	vst v21  }
0x132: {  	v8 =	vadd.s32 s30, v4;
	v21 =	vadd.s32 s31, v7;
	v15 =	vld.idx.msk [tilespmem:v24+s13+$0x0], $0xffff;
	[tilespmem:s23+$0xFFFFFFD0] =	vst v23  }
0x133: {  	s0 =	simm.s32 $0x8380;
	s1 =	simm.s32 $0x8;
	v10 =	vadd.s32 s19, v0;
	v20 =	vadd.s32 s29, v4;
	[tilespmem:s23+$0x40] =	vst v25;
	v17 =	vld.idx.msk [tilespmem:v26+s13+$0x0], $0xffff  }
.LBB2_6:
0x134: {  	s4 =	sshll.u32 s1, $0x7;
	p0 =	slt.u32 s1, $0x7C;
	s1 =	sadd.s32 $0x4, s1;
	[tilespmem:s2+$0xFFFFFF20] =	vst v13;
	v13 =	vld.idx.msk [tilespmem:v19+s13+$0x0], $0xffff  }
0x135: {  	v22 =	vadd.s32 s26, v1;
	v19 =	vadd.s32 s4, v5;
	s17 =	sadd.s32 $0x80, s4;
	s19 =	sadd.s32 $0x180, s4;
	v16 =	vld.idx.msk [tilespmem:v16+s13+$0x0], $0xffff;
	[tilespmem:s23+$0xC0] =	vst v9  }
0x136: {  	s5 =	sadd.s32 $0x100, s4;
	v9 =	vadd.s32 s17, v5;
	v23 =	vadd.s32 s19, v5;
	[tilespmem:s2+$0x90] =	vst v18;
	v12 =	vld.idx.msk [tilespmem:v12+s13+$0x0], $0xffff  }
0x137: {  	v18 =	vadd.s32 s5, v5;
	v24 =	vadd.s32 s5, v4;
	[tilespmem:s2+$0xFFFFFFA0] =	vst v14;
	v14 =	vld.idx.msk [tilespmem:v21+s13+$0x0], $0xffff;
	v21 =	vadd.s32 s24, v1  }
0x138: {  	v20 =	vld.idx.msk [tilespmem:v20+s13+$0x0], $0xffff;
	[tilespmem:s2+$0x20] =	vst v15  }
0x139: {  	v25 =	vadd.s32 s31, v4;
	v15 =	vld.idx.msk [tilespmem:v8+s13+$0x0], $0xffff;
	[tilespmem:s23+$0xFFFFFFE0] =	vst v17;
	v8 =	vmov v24  }
0x13a: {  	v17 =	vadd.s32 s29, v3;
	v10 =	vld.idx.msk [tilespmem:v10+s13+$0x0], $0xffff;
	[tilespmem:s23+$0x50] =	vst v13  }
0x13b: {  	[tilespmem:s23+$0xFFFFFF50] =	vst v11;
	v11 =	vld.idx.msk [tilespmem:v22+s13+$0x0], $0xffff  }
0x13c: {  	v13 =	vld.idx.msk [tilespmem:v19+s13+$0x0], $0xffff;
	v19 =	vadd.s32 s4, v6;
	[tilespmem:s2+$0xFFFFFF30] =	vst v16;
	v16 =	vadd.s32 s25, v1  }
0x13d: {  	v22 =	vadd.s32 s17, v6;
	[tilespmem:s2+$0xA0] =	vst v14;
	v14 =	vld.idx.msk [tilespmem:v21+s13+$0x0], $0xffff  }
0x13e: {  	v21 =	vadd.s32 s5, v6;
	[tilespmem:s2+$0xFFFFFFB0] =	vst v20;
	v20 =	vld.idx.msk [tilespmem:v25+s13+$0x0], $0xffff  }
0x13f: {  	v24 =	vadd.s32 s19, v6;
	s2 =	sadd.s32 $0x200, s2;
	v25 =	vadd.s32 s26, v0;
	s26 =	smov.u32 s30;
	s30 =	smov.u32 s5;
	v17 =	vld.idx.msk [tilespmem:v17+s13+$0x0], $0xffff;
	[tilespmem:s23+$0xD0] =	vst v12  }
0x140: {  	v12 =	vld.idx.msk [tilespmem:v9+s13+$0x0], $0xffff;
	v9 =	vadd.s32 s31, v3;
	[tilespmem:s23+$0xFFFFFFF0] =	vst v10  }
0x141: {  	v10 =	vld.idx.msk [tilespmem:v18+s13+$0x0], $0xffff;
	v18 =	vadd.s32 s24, v0;
	[tilespmem:s23+$0x60] =	vst v11;
	s24 =	smov.u32 s28;
	s28 =	smov.u32 s4  }
0x142: {  	[tilespmem:s2+$0xFFFFFF00] =	vst v13;
	v11 =	vadd.s32 s24, v3;
	v13 =	vld.idx.msk [tilespmem:v16+s13+$0x0], $0xffff  }
0x143: {  	v16 =	vld.idx.msk [tilespmem:v19+s13+$0x0], $0xffff;
	[tilespmem:s23+$0xFFFFFF60] =	vst v14;
	v14 =	vadd.s32 s25, v0;
	s25 =	smov.u32 s31;
	s31 =	smov.u32 s19  }
0x144: {  	[tilespmem:s0+$0xB0] =	vst v20;
	v19 =	vld.idx.msk [tilespmem:v25+s13+$0x0], $0xffff  }
0x145: {  	[tilespmem:s0+$0xFFFFFFC0] =	vst v17;
	v9 =	vld.idx.msk [tilespmem:v9+s13+$0x0], $0xffff  }
0x146: {  	[tilespmem:s2+$0xFFFFFF80] =	vst v12;
	v12 =	vld.idx.msk [tilespmem:v18+s13+$0x0], $0xffff  }
0x147: {  	v17 =	vadd.s32 s29, v2;
	[tilespmem:s2+$0x0] =	vst v10;
	v11 =	vld.idx.msk [tilespmem:v11+s13+$0x0], $0xffff  }
0x148: {  	v20 =	vadd.s32 s26, v3;
	v18 =	vld.idx.msk [tilespmem:v23+s13+$0x0], $0xffff;
	[tilespmem:s23+$0xE0] =	vst v13  }
0x149: {  	v10 =	vadd.s32 s29, v0;
	v13 =	vadd.s32 s28, v7;
	[tilespmem:s0+$0x30] =	vst v15;
	v14 =	vld.idx.msk [tilespmem:v14+s13+$0x0], $0xffff  }
0x14a: {  	v15 =	vld.idx.msk [tilespmem:v22+s13+$0x0], $0xffff;
	v22 =	vadd.s32 s24, v2;
	[tilespmem:s23+$0x70] =	vst v19  }
0x14b: {  	[tilespmem:s2+$0xFFFFFF10] =	vst v16;
	v21 =	vld.idx.msk [tilespmem:v21+s13+$0x0], $0xffff  }
0x14c: {  	v23 =	vadd.s32 s17, v7;
	v17 =	vld.idx.msk [tilespmem:v17+s13+$0x0], $0xffff;
	[tilespmem:s23+$0xFFFFFF70] =	vst v12  }
0x14d: {  	v25 =	vadd.s32 s30, v7;
	[tilespmem:s0+$0xFFFFFF40] =	vst v11;
	v26 =	vld.idx.msk [tilespmem:v20+s13+$0x0], $0xffff  }
0x14e: {  	v27 =	vadd.s32 s29, v1;
	s29 =	smov.u32 s17;
	v13 =	vld.idx.msk [tilespmem:v13+s13+$0x0], $0xffff;
	[tilespmem:s2+$0x80] =	vst v18  }
.Ltmp2:
0x14f: {  	v19 =	vadd.s32 s26, v2;
	v11 =	vld.idx.msk [tilespmem:v22+s13+$0x0], $0xffff;
	[tilespmem:s23+$0xF0] =	vst v14;
	s23 =	smov.u32 s0;
	s0 =	smov.u32 s2;
	(pc) =	sbr.rel @p0 .LBB2_6-.Ltmp2, $4  }
0x150: {  	v16 =	vadd.s32 s28, v4;
	[tilespmem:s2+$0xFFFFFF90] =	vst v15;
	v18 =	vld.idx.msk [tilespmem:v24+s13+$0x0], $0xffff  }
0x151: {  	v12 =	vadd.s32 s25, v2;
	v14 =	vld.idx.msk [tilespmem:v23+s13+$0x0], $0xffff;
	[tilespmem:s2+$0x10] =	vst v21  }
0x152: {  	v21 =	vadd.s32 s31, v7;
	v15 =	vld.idx.msk [tilespmem:v25+s13+$0x0], $0xffff;
	[tilespmem:s23+$0xFFFFFFD0] =	vst v17  }
0x153: {  	v20 =	vadd.s32 s29, v4;
	v17 =	vld.idx.msk [tilespmem:v27+s13+$0x0], $0xffff;
	[tilespmem:s23+$0x40] =	vst v26  }
0x154: {  	_ =	sdelay $0x2  }
0x155: {  	[tilespmem:s2+$0x90] =	vst v18  }
0x156: {  	[tilespmem:s2+$0xFFFFFF20] =	vst v13;
	v13 =	vld.idx.msk [tilespmem:v21+s13+$0x0], $0xffff  }
0x157: {  	[tilespmem:s23+$0xC0] =	vst v9;
	v9 =	vadd.s32 s31, v4  }
0x158: {  	v18 =	vld.idx.msk [tilespmem:v19+s13+$0x0], $0xffff;
	[tilespmem:s2+$0xFFFFFFA0] =	vst v14  }
0x159: {  	v14 =	vld.idx.msk [tilespmem:v20+s13+$0x0], $0xffff;
	[tilespmem:s2+$0x20] =	vst v15  }
0x15a: {  	[tilespmem:s23+$0xFFFFFF50] =	vst v11;
	v15 =	vadd.s32 s29, v3;
	v8 =	vld.idx.msk [tilespmem:v8+s13+$0x0], $0xffff  }
0x15b: {  	v16 =	vld.idx.msk [tilespmem:v16+s13+$0x0], $0xffff;
	[tilespmem:s2+$0xA0] =	vst v13;
	v13 =	vadd.s32 s30, v3  }
0x15c: {  	[tilespmem:s23+$0xFFFFFFE0] =	vst v17;
	v17 =	vadd.s32 s28, v3;
	v9 =	vld.idx.msk [tilespmem:v9+s13+$0x0], $0xffff  }
0x15d: {  	v11 =	vadd.s32 s31, v3;
	v12 =	vld.idx.msk [tilespmem:v12+s13+$0x0], $0xffff;
	[tilespmem:s23+$0x50] =	vst v18  }
0x15e: {  	v10 =	vld.idx.msk [tilespmem:v10+s13+$0x0], $0xffff;
	v18 =	vadd.s32 s26, v1;
	[tilespmem:s2+$0xFFFFFFB0] =	vst v14  }
0x15f: {  	v14 =	vadd.s32 s24, v1;
	v15 =	vld.idx.msk [tilespmem:v15+s13+$0x0], $0xffff;
	[tilespmem:s0+$0x30] =	vst v8  }
0x160: {  	[tilespmem:s2+$0xFFFFFF30] =	vst v16;
	v8 =	vadd.s32 s29, v2;
	v13 =	vld.idx.msk [tilespmem:v13+s13+$0x0], $0xffff  }
0x161: {  	v16 =	vadd.s32 s30, v2;
	[tilespmem:s0+$0xB0] =	vst v9;
	v9 =	vld.idx.msk [tilespmem:v17+s13+$0x0], $0xffff  }
0x162: {  	[tilespmem:s23+$0xD0] =	vst v12;
	v12 =	vadd.s32 s28, v2;
	v11 =	vld.idx.msk [tilespmem:v11+s13+$0x0], $0xffff  }
0x163: {  	[tilespmem:s23+$0xFFFFFFF0] =	vst v10;
	v10 =	vadd.s32 s31, v2;
	v17 =	vld.idx.msk [tilespmem:v18+s13+$0x0], $0xffff  }
0x164: {  	v18 =	vadd.s32 s25, v1;
	v14 =	vld.idx.msk [tilespmem:v14+s13+$0x0], $0xffff;
	[tilespmem:s0+$0xFFFFFFC0] =	vst v15  }
0x165: {  	v15 =	vadd.s32 s26, v0;
	v8 =	vld.idx.msk [tilespmem:v8+s13+$0x0], $0xffff;
	[tilespmem:s0+$0x40] =	vst v13  }
0x166: {  	[tilespmem:s0+$0xFFFFFF40] =	vst v9;
	v9 =	vadd.s32 s29, v1;
	v13 =	vld.idx.msk [tilespmem:v16+s13+$0x0], $0xffff  }
0x167: {  	v16 =	vadd.s32 s30, v1;
	v12 =	vld.idx.msk [tilespmem:v12+s13+$0x0], $0xffff;
	[tilespmem:s0+$0xC0] =	vst v11  }
0x168: {  	[tilespmem:s23+$0x60] =	vst v17;
	v11 =	vadd.s32 s28, v1;
	v10 =	vld.idx.msk [tilespmem:v10+s13+$0x0], $0xffff  }
0x169: {  	v17 =	vld.idx.msk [tilespmem:v18+s13+$0x0], $0xffff;
	[tilespmem:s23+$0xFFFFFF60] =	vst v14;
	v14 =	vadd.s32 s31, v1  }
0x16a: {  	v18 =	vadd.s32 s24, v0;
	v15 =	vld.idx.msk [tilespmem:v15+s13+$0x0], $0xffff;
	[tilespmem:s0+$0xFFFFFFD0] =	vst v8  }
0x16b: {  	v8 =	vadd.s32 s25, v0;
	v9 =	vld.idx.msk [tilespmem:v9+s13+$0x0], $0xffff;
	[tilespmem:s0+$0x50] =	vst v13  }
0x16c: {  	v13 =	vadd.s32 s29, v0;
	[tilespmem:s0+$0xFFFFFF50] =	vst v12;
	v12 =	vld.idx.msk [tilespmem:v16+s13+$0x0], $0xffff  }
0x16d: {  	v16 =	vadd.s32 s30, v0;
	v11 =	vld.idx.msk [tilespmem:v11+s13+$0x0], $0xffff;
	[tilespmem:s0+$0xD0] =	vst v10  }
0x16e: {  	[tilespmem:s23+$0xE0] =	vst v17;
	v10 =	vadd.s32 s28, v0;
	v14 =	vld.idx.msk [tilespmem:v14+s13+$0x0], $0xffff  }
0x16f: {  	v17 =	vld.idx.msk [tilespmem:v18+s13+$0x0], $0xffff;
	[tilespmem:s23+$0x70] =	vst v15;
	v15 =	vadd.s32 s31, v0  }
0x170: {  	v8 =	vld.idx.msk [tilespmem:v8+s13+$0x0], $0xffff;
	[tilespmem:s0+$0xFFFFFFE0] =	vst v9  }
0x171: {  	v9 =	vld.idx.msk [tilespmem:v13+s13+$0x0], $0xffff;
	[tilespmem:s0+$0x60] =	vst v12  }
0x172: {  	[tilespmem:s0+$0xFFFFFF60] =	vst v11;
	v11 =	vld.idx.msk [tilespmem:v16+s13+$0x0], $0xffff  }
0x173: {  	v10 =	vld.idx.msk [tilespmem:v10+s13+$0x0], $0xffff;
	[tilespmem:s0+$0xE0] =	vst v14  }
0x174: {  	[tilespmem:s23+$0xFFFFFF70] =	vst v17;
	v12 =	vld.idx.msk [tilespmem:v15+s13+$0x0], $0xffff  }
0x175: {  	[tilespmem:s23+$0xF0] =	vst v8  }
0x176: {  	[tilespmem:s0+$0xFFFFFFF0] =	vst v9  }
0x177: {  	[tilespmem:s0+$0x70] =	vst v11  }
0x178: {  	[tilespmem:s0+$0xFFFFFF70] =	vst v10  }
0x179: {  	s17 =	simm.s32 $0x0;
	s1 =	simm.s32 $0x8080;
	[tilespmem:s0+$0xF0] =	vst v12  }
0x17a: {  	[hbm4b:s10+s17] =	stream.linear.scatter [tilespmem:s1], [sflag:$0x3], $0x4000, $0x38;
	[tilespmem:$0x10080] =	vst v63  }
0x17b: {  	s19 =	simm.s32 $0x80;
	_ =	swait.ge [sflag:s18], $0x4000  }
0x17c: {  	v8 =	vadd.s32 s19, v5;
	[sflag:s18] =	ssyncset.done $0x0  }
0x17d: {  	s24 =	simm.s32 $0x0;
	[sflag:s18] =	ssyncadd.s32 $0xFFFFC000  }
0x17e: {  	v9 =	vadd.s32 s24, v5;
	_ =	swait.ge [sflag:s21], $0x4000  }
0x17f: {  	s25 =	simm.s32 $0x180;
	[sflag:s21] =	ssyncset.done $0x0  }
0x180: {  	s26 =	simm.s32 $0x100;
	v10 =	vadd.s32 s25, v5;
	[sflag:s21] =	ssyncadd.s32 $0xFFFFC000  }
0x181: {  	v11 =	vadd.s32 s26, v5;
	v8 =	vld.idx.msk [tilespmem:v8+s14+$0x0], $0xffff  }
0x182: {  	v12 =	vadd.s32 s19, v6  }
0x183: {  	v9 =	vld.idx.msk [tilespmem:v9+s14+$0x0], $0xffff  }
0x184: {  	v13 =	vadd.s32 s24, v6  }
0x185: {  	s23 =	simm.s32 $0xC180;
	v10 =	vld.idx.msk [tilespmem:v10+s14+$0x0], $0xffff  }
0x186: {  	v14 =	vadd.s32 s25, v6;
	v11 =	vld.idx.msk [tilespmem:v11+s14+$0x0], $0xffff;
	[tilespmem:s23+$0xFFFFFF80] =	vst v8  }
0x187: {  	v8 =	vadd.s32 s26, v6;
	v12 =	vld.idx.msk [tilespmem:v12+s14+$0x0], $0xffff  }
0x188: {  	[tilespmem:s23+$0xFFFFFF00] =	vst v9;
	v9 =	vadd.s32 s19, v7  }
0x189: {  	v13 =	vld.idx.msk [tilespmem:v13+s14+$0x0], $0xffff  }
0x18a: {  	s29 =	simm.s32 $0x280;
	v15 =	vadd.s32 s24, v7;
	[tilespmem:s23+$0x80] =	vst v10  }
0x18b: {  	v16 =	vadd.s32 s29, v5;
	[tilespmem:s23+$0x0] =	vst v11;
	v10 =	vld.idx.msk [tilespmem:v14+s14+$0x0], $0xffff  }
0x18c: {  	v11 =	vadd.s32 s25, v7;
	v8 =	vld.idx.msk [tilespmem:v8+s14+$0x0], $0xffff;
	[tilespmem:s23+$0xFFFFFF90] =	vst v12  }
0x18d: {  	v12 =	vadd.s32 s26, v7;
	v9 =	vld.idx.msk [tilespmem:v9+s14+$0x0], $0xffff  }
0x18e: {  	s30 =	simm.s32 $0x300;
	[tilespmem:s23+$0xFFFFFF10] =	vst v13;
	v13 =	vadd.s32 s19, v4  }
0x18f: {  	v17 =	vadd.s32 s30, v5;
	v14 =	vld.idx.msk [tilespmem:v15+s14+$0x0], $0xffff  }
0x190: {  	s28 =	simm.s32 $0x200;
	v16 =	vld.idx.msk [tilespmem:v16+s14+$0x0], $0xffff;
	[tilespmem:s23+$0x90] =	vst v10;
	v15 =	vadd.s32 s24, v4  }
0x191: {  	v10 =	vld.idx.msk [tilespmem:v11+s14+$0x0], $0xffff;
	[tilespmem:s23+$0x10] =	vst v8;
	v8 =	vadd.s32 s28, v5  }
0x192: {  	v11 =	vld.idx.msk [tilespmem:v12+s14+$0x0], $0xffff;
	[tilespmem:s23+$0xFFFFFFA0] =	vst v9;
	v9 =	vadd.s32 s25, v4  }
0x193: {  	v12 =	vadd.s32 s26, v4;
	v13 =	vld.idx.msk [tilespmem:v13+s14+$0x0], $0xffff  }
0x194: {  	v17 =	vld.idx.msk [tilespmem:v17+s14+$0x0], $0xffff;
	[tilespmem:s23+$0xFFFFFF20] =	vst v14;
	v14 =	vadd.s32 s19, v3  }
0x195: {  	s31 =	simm.s32 $0x380;
	v15 =	vld.idx.msk [tilespmem:v15+s14+$0x0], $0xffff  }
0x196: {  	v18 =	vadd.s32 s31, v5;
	[tilespmem:s23+$0xA0] =	vst v10;
	v8 =	vld.idx.msk [tilespmem:v8+s14+$0x0], $0xffff  }
0x197: {  	v10 =	vadd.s32 s28, v6;
	[tilespmem:s23+$0x20] =	vst v11;
	v9 =	vld.idx.msk [tilespmem:v9+s14+$0x0], $0xffff  }
0x198: {  	s2 =	simm.s32 $0xC380;
	v11 =	vld.idx.msk [tilespmem:v12+s14+$0x0], $0xffff;
	v12 =	vadd.s32 s25, v3;
	[tilespmem:s23+$0xFFFFFFB0] =	vst v13  }
0x199: {  	[tilespmem:s2+$0xFFFFFF80] =	vst v16;
	v13 =	vld.idx.msk [tilespmem:v14+s14+$0x0], $0xffff;
	v14 =	vadd.s32 s24, v3  }
0x19a: {  	v19 =	vadd.s32 s29, v6;
	[tilespmem:s23+$0xFFFFFF30] =	vst v15  }
0x19b: {  	v16 =	vld.idx.msk [tilespmem:v18+s14+$0x0], $0xffff;
	v15 =	vadd.s32 s26, v3;
	[tilespmem:s2+$0xFFFFFF00] =	vst v8  }
0x19c: {  	v8 =	vadd.s32 s30, v6;
	v10 =	vld.idx.msk [tilespmem:v10+s14+$0x0], $0xffff;
	[tilespmem:s23+$0xB0] =	vst v9  }
0x19d: {  	v9 =	vld.idx.msk [tilespmem:v12+s14+$0x0], $0xffff;
	v12 =	vadd.s32 s19, v2  }
0x19e: {  	v18 =	vadd.s32 s28, v7;
	[tilespmem:s2+$0x0] =	vst v17;
	v14 =	vld.idx.msk [tilespmem:v14+s14+$0x0], $0xffff  }
0x19f: {  	v17 =	vld.idx.msk [tilespmem:v19+s14+$0x0], $0xffff;
	v19 =	vadd.s32 s24, v2;
	[tilespmem:s23+$0x30] =	vst v11  }
0x1a0: {  	v20 =	vadd.s32 s31, v6;
	v25 =	vld.idx.msk [tilespmem:v15+s14+$0x0], $0xffff  }
0x1a1: {  	v22 =	vadd.s32 s29, v7;
	[tilespmem:s23+$0xFFFFFFC0] =	vst v13;
	v21 =	vld.idx.msk [tilespmem:v8+s14+$0x0], $0xffff  }
0x1a2: {  	v24 =	vadd.s32 s30, v7;
	[tilespmem:s2+$0xFFFFFF10] =	vst v10;
	v23 =	vld.idx.msk [tilespmem:v12+s14+$0x0], $0xffff  }
0x1a3: {  	v26 =	vadd.s32 s19, v1;
	v13 =	vld.idx.msk [tilespmem:v18+s14+$0x0], $0xffff;
	[tilespmem:s23+$0xFFFFFF40] =	vst v14  }
0x1a4: {  	[tilespmem:s2+$0x80] =	vst v16;
	v11 =	vld.idx.msk [tilespmem:v19+s14+$0x0], $0xffff;
	v19 =	vadd.s32 s26, v2  }
0x1a5: {  	v16 =	vadd.s32 s28, v4;
	[tilespmem:s2+$0xFFFFFF90] =	vst v17;
	v18 =	vld.idx.msk [tilespmem:v20+s14+$0x0], $0xffff  }
0x1a6: {  	v12 =	vadd.s32 s25, v2;
	v14 =	vld.idx.msk [tilespmem:v22+s14+$0x0], $0xffff;
	[tilespmem:s2+$0x10] =	vst v21  }
0x1a7: {  	v8 =	vadd.s32 s30, v4;
	v21 =	vadd.s32 s31, v7;
	v15 =	vld.idx.msk [tilespmem:v24+s14+$0x0], $0xffff;
	[tilespmem:s23+$0xFFFFFFD0] =	vst v23  }
0x1a8: {  	s0 =	simm.s32 $0xC380;
	s1 =	simm.s32 $0x8;
	v10 =	vadd.s32 s19, v0;
	v20 =	vadd.s32 s29, v4;
	[tilespmem:s23+$0x40] =	vst v25;
	v17 =	vld.idx.msk [tilespmem:v26+s14+$0x0], $0xffff  }
.LBB2_8:
0x1a9: {  	s4 =	sshll.u32 s1, $0x7;
	p0 =	slt.u32 s1, $0x7C;
	s1 =	sadd.s32 $0x4, s1;
	[tilespmem:s2+$0xFFFFFF20] =	vst v13;
	v13 =	vld.idx.msk [tilespmem:v19+s14+$0x0], $0xffff  }
0x1aa: {  	v22 =	vadd.s32 s26, v1;
	v19 =	vadd.s32 s4, v5;
	s17 =	sadd.s32 $0x80, s4;
	s19 =	sadd.s32 $0x180, s4;
	v16 =	vld.idx.msk [tilespmem:v16+s14+$0x0], $0xffff;
	[tilespmem:s23+$0xC0] =	vst v9  }
0x1ab: {  	s5 =	sadd.s32 $0x100, s4;
	v9 =	vadd.s32 s17, v5;
	v23 =	vadd.s32 s19, v5;
	[tilespmem:s2+$0x90] =	vst v18;
	v12 =	vld.idx.msk [tilespmem:v12+s14+$0x0], $0xffff  }
0x1ac: {  	v18 =	vadd.s32 s5, v5;
	v24 =	vadd.s32 s5, v4;
	[tilespmem:s2+$0xFFFFFFA0] =	vst v14;
	v14 =	vld.idx.msk [tilespmem:v21+s14+$0x0], $0xffff;
	v21 =	vadd.s32 s24, v1  }
0x1ad: {  	v20 =	vld.idx.msk [tilespmem:v20+s14+$0x0], $0xffff;
	[tilespmem:s2+$0x20] =	vst v15  }
0x1ae: {  	v25 =	vadd.s32 s31, v4;
	v15 =	vld.idx.msk [tilespmem:v8+s14+$0x0], $0xffff;
	[tilespmem:s23+$0xFFFFFFE0] =	vst v17;
	v8 =	vmov v24  }
0x1af: {  	v17 =	vadd.s32 s29, v3;
	v10 =	vld.idx.msk [tilespmem:v10+s14+$0x0], $0xffff;
	[tilespmem:s23+$0x50] =	vst v13  }
0x1b0: {  	[tilespmem:s23+$0xFFFFFF50] =	vst v11;
	v11 =	vld.idx.msk [tilespmem:v22+s14+$0x0], $0xffff  }
0x1b1: {  	v13 =	vld.idx.msk [tilespmem:v19+s14+$0x0], $0xffff;
	v19 =	vadd.s32 s4, v6;
	[tilespmem:s2+$0xFFFFFF30] =	vst v16;
	v16 =	vadd.s32 s25, v1  }
0x1b2: {  	v22 =	vadd.s32 s17, v6;
	[tilespmem:s2+$0xA0] =	vst v14;
	v14 =	vld.idx.msk [tilespmem:v21+s14+$0x0], $0xffff  }
0x1b3: {  	v21 =	vadd.s32 s5, v6;
	[tilespmem:s2+$0xFFFFFFB0] =	vst v20;
	v20 =	vld.idx.msk [tilespmem:v25+s14+$0x0], $0xffff  }
0x1b4: {  	v24 =	vadd.s32 s19, v6;
	s2 =	sadd.s32 $0x200, s2;
	v25 =	vadd.s32 s26, v0;
	s26 =	smov.u32 s30;
	s30 =	smov.u32 s5;
	v17 =	vld.idx.msk [tilespmem:v17+s14+$0x0], $0xffff;
	[tilespmem:s23+$0xD0] =	vst v12  }
0x1b5: {  	v12 =	vld.idx.msk [tilespmem:v9+s14+$0x0], $0xffff;
	v9 =	vadd.s32 s31, v3;
	[tilespmem:s23+$0xFFFFFFF0] =	vst v10  }
0x1b6: {  	v10 =	vld.idx.msk [tilespmem:v18+s14+$0x0], $0xffff;
	v18 =	vadd.s32 s24, v0;
	[tilespmem:s23+$0x60] =	vst v11;
	s24 =	smov.u32 s28;
	s28 =	smov.u32 s4  }
0x1b7: {  	[tilespmem:s2+$0xFFFFFF00] =	vst v13;
	v11 =	vadd.s32 s24, v3;
	v13 =	vld.idx.msk [tilespmem:v16+s14+$0x0], $0xffff  }
0x1b8: {  	v16 =	vld.idx.msk [tilespmem:v19+s14+$0x0], $0xffff;
	[tilespmem:s23+$0xFFFFFF60] =	vst v14;
	v14 =	vadd.s32 s25, v0;
	s25 =	smov.u32 s31;
	s31 =	smov.u32 s19  }
0x1b9: {  	[tilespmem:s0+$0xB0] =	vst v20;
	v19 =	vld.idx.msk [tilespmem:v25+s14+$0x0], $0xffff  }
0x1ba: {  	[tilespmem:s0+$0xFFFFFFC0] =	vst v17;
	v9 =	vld.idx.msk [tilespmem:v9+s14+$0x0], $0xffff  }
0x1bb: {  	[tilespmem:s2+$0xFFFFFF80] =	vst v12;
	v12 =	vld.idx.msk [tilespmem:v18+s14+$0x0], $0xffff  }
0x1bc: {  	v17 =	vadd.s32 s29, v2;
	[tilespmem:s2+$0x0] =	vst v10;
	v11 =	vld.idx.msk [tilespmem:v11+s14+$0x0], $0xffff  }
0x1bd: {  	v20 =	vadd.s32 s26, v3;
	v18 =	vld.idx.msk [tilespmem:v23+s14+$0x0], $0xffff;
	[tilespmem:s23+$0xE0] =	vst v13  }
0x1be: {  	v10 =	vadd.s32 s29, v0;
	v13 =	vadd.s32 s28, v7;
	[tilespmem:s0+$0x30] =	vst v15;
	v14 =	vld.idx.msk [tilespmem:v14+s14+$0x0], $0xffff  }
0x1bf: {  	v15 =	vld.idx.msk [tilespmem:v22+s14+$0x0], $0xffff;
	v22 =	vadd.s32 s24, v2;
	[tilespmem:s23+$0x70] =	vst v19  }
0x1c0: {  	[tilespmem:s2+$0xFFFFFF10] =	vst v16;
	v21 =	vld.idx.msk [tilespmem:v21+s14+$0x0], $0xffff  }
0x1c1: {  	v23 =	vadd.s32 s17, v7;
	v17 =	vld.idx.msk [tilespmem:v17+s14+$0x0], $0xffff;
	[tilespmem:s23+$0xFFFFFF70] =	vst v12  }
0x1c2: {  	v25 =	vadd.s32 s30, v7;
	[tilespmem:s0+$0xFFFFFF40] =	vst v11;
	v26 =	vld.idx.msk [tilespmem:v20+s14+$0x0], $0xffff  }
0x1c3: {  	v27 =	vadd.s32 s29, v1;
	s29 =	smov.u32 s17;
	v13 =	vld.idx.msk [tilespmem:v13+s14+$0x0], $0xffff;
	[tilespmem:s2+$0x80] =	vst v18  }
.Ltmp3:
0x1c4: {  	v19 =	vadd.s32 s26, v2;
	v11 =	vld.idx.msk [tilespmem:v22+s14+$0x0], $0xffff;
	[tilespmem:s23+$0xF0] =	vst v14;
	s23 =	smov.u32 s0;
	s0 =	smov.u32 s2;
	(pc) =	sbr.rel @p0 .LBB2_8-.Ltmp3, $4  }
0x1c5: {  	v16 =	vadd.s32 s28, v4;
	[tilespmem:s2+$0xFFFFFF90] =	vst v15;
	v18 =	vld.idx.msk [tilespmem:v24+s14+$0x0], $0xffff  }
0x1c6: {  	v12 =	vadd.s32 s25, v2;
	v14 =	vld.idx.msk [tilespmem:v23+s14+$0x0], $0xffff;
	[tilespmem:s2+$0x10] =	vst v21  }
0x1c7: {  	v21 =	vadd.s32 s31, v7;
	v15 =	vld.idx.msk [tilespmem:v25+s14+$0x0], $0xffff;
	[tilespmem:s23+$0xFFFFFFD0] =	vst v17  }
0x1c8: {  	v20 =	vadd.s32 s29, v4;
	v17 =	vld.idx.msk [tilespmem:v27+s14+$0x0], $0xffff;
	[tilespmem:s23+$0x40] =	vst v26  }
0x1c9: {  	_ =	sdelay $0x2  }
0x1ca: {  	[tilespmem:s2+$0x90] =	vst v18  }
0x1cb: {  	[tilespmem:s2+$0xFFFFFF20] =	vst v13;
	v5 =	vld.idx.msk [tilespmem:v21+s14+$0x0], $0xffff  }
0x1cc: {  	[tilespmem:s23+$0xC0] =	vst v9;
	v4 =	vadd.s32 s31, v4  }
0x1cd: {  	v6 =	vld.idx.msk [tilespmem:v19+s14+$0x0], $0xffff;
	[tilespmem:s23+$0xFFFFFF50] =	vst v11  }
0x1ce: {  	v13 =	vld.idx.msk [tilespmem:v16+s14+$0x0], $0xffff;
	[tilespmem:s2+$0xFFFFFFA0] =	vst v14  }
0x1cf: {  	v40 =	vadd.s32 s28, v3;
	v7 =	vld.idx.msk [tilespmem:v20+s14+$0x0], $0xffff;
	[tilespmem:s2+$0x20] =	vst v15  }
0x1d0: {  	v38 =	vadd.s32 s29, v3;
	v8 =	vld.idx.msk [tilespmem:v8+s14+$0x0], $0xffff;
	[tilespmem:s2+$0xA0] =	vst v5  }
0x1d1: {  	v39 =	vadd.s32 s30, v3;
	[tilespmem:s23+$0xFFFFFFE0] =	vst v17;
	v4 =	vld.idx.msk [tilespmem:v4+s14+$0x0], $0xffff  }
0x1d2: {  	v41 =	vadd.s32 s31, v3;
	v12 =	vld.idx.msk [tilespmem:v12+s14+$0x0], $0xffff;
	[tilespmem:s23+$0x50] =	vst v6  }
0x1d3: {  	v42 =	vadd.s32 s26, v1;
	v10 =	vld.idx.msk [tilespmem:v10+s14+$0x0], $0xffff;
	[tilespmem:s2+$0xFFFFFF30] =	vst v13  }
0x1d4: {  	v43 =	vadd.s32 s24, v1;
	v45 =	vld.idx.msk [tilespmem:v40+s14+$0x0], $0xffff;
	[tilespmem:s2+$0xFFFFFFB0] =	vst v7  }
0x1d5: {  	v47 =	vadd.s32 s28, v2;
	v9 =	vld.idx.msk [tilespmem:v38+s14+$0x0], $0xffff;
	[tilespmem:s0+$0x30] =	vst v8  }
0x1d6: {  	v44 =	vadd.s32 s29, v2;
	v5 =	vld.idx.msk [tilespmem:v39+s14+$0x0], $0xffff;
	[tilespmem:s0+$0xB0] =	vst v4  }
0x1d7: {  	v46 =	vadd.s32 s30, v2;
	[tilespmem:s23+$0xD0] =	vst v12;
	v3 =	vld.idx.msk [tilespmem:v41+s14+$0x0], $0xffff  }
0x1d8: {  	v48 =	vadd.s32 s31, v2;
	v11 =	vld.idx.msk [tilespmem:v42+s14+$0x0], $0xffff;
	[tilespmem:s23+$0xFFFFFFF0] =	vst v10  }
0x1d9: {  	v49 =	vadd.s32 s25, v1;
	v7 =	vld.idx.msk [tilespmem:v43+s14+$0x0], $0xffff;
	[tilespmem:s0+$0xFFFFFF40] =	vst v45  }
0x1da: {  	v50 =	vadd.s32 s26, v0;
	v52 =	vld.idx.msk [tilespmem:v47+s14+$0x0], $0xffff;
	[tilespmem:s0+$0xFFFFFFC0] =	vst v9  }
0x1db: {  	v54 =	vadd.s32 s28, v1;
	v8 =	vld.idx.msk [tilespmem:v44+s14+$0x0], $0xffff;
	[tilespmem:s0+$0x40] =	vst v5  }
0x1dc: {  	v51 =	vadd.s32 s29, v1;
	v5 =	vld.idx.msk [tilespmem:v46+s14+$0x0], $0xffff;
	[tilespmem:s0+$0xC0] =	vst v3  }
0x1dd: {  	v53 =	vadd.s32 s30, v1;
	[tilespmem:s23+$0x60] =	vst v11;
	v2 =	vld.idx.msk [tilespmem:v48+s14+$0x0], $0xffff  }
0x1de: {  	v55 =	vadd.s32 s31, v1;
	v10 =	vld.idx.msk [tilespmem:v49+s14+$0x0], $0xffff;
	[tilespmem:s23+$0xFFFFFF60] =	vst v7  }
0x1df: {  	v56 =	vadd.s32 s24, v0;
	v9 =	vld.idx.msk [tilespmem:v50+s14+$0x0], $0xffff;
	[tilespmem:s0+$0xFFFFFF50] =	vst v52  }
0x1e0: {  	v57 =	vadd.s32 s25, v0;
	v3 =	vld.idx.msk [tilespmem:v54+s14+$0x0], $0xffff;
	[tilespmem:s0+$0xFFFFFFD0] =	vst v8  }
0x1e1: {  	v61 =	vadd.s32 s28, v0;
	v4 =	vld.idx.msk [tilespmem:v51+s14+$0x0], $0xffff;
	[tilespmem:s0+$0x50] =	vst v5  }
0x1e2: {  	v58 =	vadd.s32 s29, v0;
	v59 =	vld.idx.msk [tilespmem:v53+s14+$0x0], $0xffff;
	[tilespmem:s0+$0xD0] =	vst v2  }
0x1e3: {  	v60 =	vadd.s32 s30, v0;
	[tilespmem:s23+$0xE0] =	vst v10;
	v1 =	vld.idx.msk [tilespmem:v55+s14+$0x0], $0xffff  }
0x1e4: {  	v62 =	vadd.s32 s31, v0;
	v7 =	vld.idx.msk [tilespmem:v56+s14+$0x0], $0xffff;
	[tilespmem:s23+$0x70] =	vst v9  }
0x1e5: {  	v8 =	vld.idx.msk [tilespmem:v57+s14+$0x0], $0xffff;
	[tilespmem:s0+$0xFFFFFF60] =	vst v3  }
0x1e6: {  	v2 =	vld.idx.msk [tilespmem:v61+s14+$0x0], $0xffff;
	[tilespmem:s0+$0xFFFFFFE0] =	vst v4  }
0x1e7: {  	v4 =	vld.idx.msk [tilespmem:v58+s14+$0x0], $0xffff;
	[tilespmem:s0+$0x60] =	vst v59  }
0x1e8: {  	v63 =	vld.idx.msk [tilespmem:v60+s14+$0x0], $0xffff;
	[tilespmem:s0+$0xE0] =	vst v1  }
0x1e9: {  	[tilespmem:s23+$0xFFFFFF70] =	vst v7;
	v0 =	vld.idx.msk [tilespmem:v62+s14+$0x0], $0xffff  }
0x1ea: {  	[tilespmem:s23+$0xF0] =	vst v8  }
0x1eb: {  	[tilespmem:s0+$0xFFFFFF70] =	vst v2  }
0x1ec: {  	[tilespmem:s0+$0xFFFFFFF0] =	vst v4  }
0x1ed: {  	[tilespmem:s0+$0x70] =	vst v63  }
0x1ee: {  	s31 =	simm.s32 $0xC080;
	s22 =	sadd.s32 $0x1, s22;
	[tilespmem:s0+$0xF0] =	vst v0  }
0x1ef: {  	[hbm4b:s11+s3] =	stream.linear.scatter [tilespmem:s31], [sflag:$0x4], $0x4000, $0x38;
	[tilespmem:$0x10080] =	vst v63  }
0x1f0: {  	p0 =	sne.s32 s22, s12;
	_ =	swait.ge [sflag:s20], $0x4000  }
.Ltmp4:
0x1f1: {  	[sflag:s20] =	ssyncset.done $0x0;
	(pc) =	sbr.rel @p0 .LBB2_1-.Ltmp4, $4  }
0x1f2: {  	[sflag:s20] =	ssyncadd.s32 $0xFFFFC000  }
0x1f3: {  	_ =	swait.ge [sflag:s21], $0x4000  }
0x1f4: {  	[sflag:s21] =	ssyncset.done $0x0  }
0x1f5: {  	[sflag:s21] =	ssyncadd.s32 $0xFFFFC000  }
0x1f6: {  	_ =	sfence.sel $0x180000  }
0x1f7: {  	[bflag:$0x0] =	sbarrier.arrive $0xFFFF  }
0x1f8: {  	_ =	strace $0x90000047  }
0x1f9: {  	s0 =	stileid.u32;
	[bflag:$0x2] =	sbarrier.arrive $0xFFFF  }
0x1fa: {  	p0 =	sne.s32 s0, $0x0;
	s0 =	rddreg [dreg:$0x3]  }
0x1fb: {  	s0 =	sadd.s32 @!p0 $0x100000, s0  }
0x1fc: {  	[sflag:s0] =	ssyncadd.tile.s32 @!p0 $0x1;
	_ =	shalt  }
.Lfunc_end2:
_tile_overlayer_lowered:
.L_overlay_start_2:
0x1fd: {  	(tag) =	ssettag $0x2  }
0x1fe: {  	s0 =	rddreg [dreg:$0x0];
	s2 =	stileid.u32  }
0x1ff: {  	s1 =	rddreg [dreg:$0x1];
	p0 =	sne.s32 s2, $0x0  }
0x200: {  	s3 =	rddreg [dreg:$0x2];
	[bflag:$0x3] =	sbarrier.arrive $0xFFFF;
	s2 =	simm.s32 @!p0 $0x1C05  }
0x201: {  	[timem:s3], [sflag:s2] =	dma.local @!p0 [hbm:s0], s1  }
0x202: {  	s0 =	simm.s32 @!p0 $0x5  }
0x203: {  	_ =	swait.ge @!p0 [sflag:s0], s1  }
0x204: {  	s1 =	ssub.s32 @!p0 $0x0, s1;
	[sflag:s0] =	ssyncset.done @!p0 $0x0  }
0x205: {  	[sflag:s0] =	ssyncadd.s32 @!p0 s1  }
0x206: {  	[bflag:$0x3] =	sbarrier.arrive $0xFFFF  }
0x207: {  	_ =	shalt  }

</sc_bundles>
